<compile_context>
chip_gen: v7x
topology: tpu7x:2x2x1
jax: 0.10.2.dev20260603
libtpu: 0.0.44.dev20260713+nightly
codegen_flags: <defaults>
</compile_context>

<pallas_src>
import functools

import jax
import jax.numpy as jnp
from jax import lax
from jax.experimental import pallas as pl
from jax.experimental.pallas import tpu as pltpu
from jax.experimental.pallas import tpu_sc as plsc

NC = 2
NS = 16
L = 16
NW = NC * NS

C = 3
CH = 4096


def _make_render(n_pix, p_rows):
    nchunk = n_pix // CH
    max_t = -(-nchunk // (NW // C))
    n_pairs = (max_t + 1) // 2

    mesh = plsc.VectorSubcoreMesh(core_axis_name="c", subcore_axis_name="s")

    @functools.partial(
        pl.kernel,
        mesh=mesh,
        compiler_params=pltpu.CompilerParams(needs_layout_passes=False),
        out_type=jax.ShapeDtypeStruct((C, n_pix), jnp.float32),
        scratch_types=[
            pltpu.VMEM((p_rows,), jnp.float32),
            pltpu.VMEM((CH,), jnp.int32),
            pltpu.VMEM((CH,), jnp.int32),
            pltpu.VMEM((CH,), jnp.float32),
            pltpu.VMEM((CH,), jnp.float32),
            pltpu.SemaphoreType.DMA,
            pltpu.SemaphoreType.DMA,
            pltpu.SemaphoreType.DMA,
            pltpu.SemaphoreType.DMA,
        ],
    )
    def render(idx_hbm, tab_hbm, out_hbm, tab_v, idx_a, idx_b, out_a, out_b,
               isem_a, isem_b, osem_a, osem_b):
        wid = lax.axis_index("s") * NC + lax.axis_index("c")
        chan = wid % C
        jc = wid // C
        nc = jnp.where(chan < 2, NW // C + 1, NW // C)
        n_valid = (nchunk - jc + nc - 1) // nc

        def in_slice(t):
            return idx_hbm.at[pl.ds((jc + t * nc) * CH, CH)]

        def out_slice(t):
            return out_hbm.at[chan, pl.ds((jc + t * nc) * CH, CH)]

        def start_in(t, ibuf, isem):
            @pl.when(jc + t * nc < nchunk)
            def _():
                pltpu.async_copy(in_slice(t), ibuf, isem)

        def process(t, not_first, ibuf, isem, obuf, osem):
            @pl.when(jc + t * nc < nchunk)
            def _():
                pltpu.make_async_copy(in_slice(t), ibuf, isem).wait()

                @pl.when(not_first)
                def _():
                    pltpu.make_async_copy(obuf, out_slice(t), osem).wait()

                @plsc.parallel_loop(0, CH, step=L, unroll=8)
                def _vec(off):
                    iv = ibuf[pl.ds(off, L)]
                    safe = jnp.minimum(jnp.maximum(iv, 0), p_rows - 1)
                    g = plsc.load_gather(tab_v, [safe])
                    v = jnp.minimum(jnp.maximum(g * 0.5 + 0.5, 0.0), 1.0)
                    obuf[pl.ds(off, L)] = jnp.where(iv < 0, jnp.float32(1.0), v)

                pltpu.async_copy(obuf, out_slice(t), osem)
                start_in(t + 2, ibuf, isem)

        pltpu.sync_copy(tab_hbm.at[chan], tab_v)
        start_in(0, idx_a, isem_a)
        start_in(1, idx_b, isem_b)

        def pair_body(tt, carry):
            process(2 * tt, tt > 0, idx_a, isem_a, out_a, osem_a)
            process(2 * tt + 1, tt > 0, idx_b, isem_b, out_b, osem_b)
            return carry

        lax.fori_loop(0, n_pairs, pair_body, 0)

        @pl.when(n_valid >= 1)
        def _():
            pltpu.make_async_copy(out_a, out_hbm.at[chan, pl.ds(0, CH)],
                                  osem_a).wait()

        @pl.when(n_valid >= 2)
        def _():
            pltpu.make_async_copy(out_b, out_hbm.at[chan, pl.ds(0, CH)],
                                  osem_b).wait()

    return render


def kernel(fragments_idx, normals):
    b, h, w, k = fragments_idx.shape
    n_pix = b * h * w
    p_rows = normals.shape[0]
    idx0 = fragments_idx.reshape(n_pix, k)[:, 0]
    tab = jnp.transpose(normals)
    planar = _make_render(n_pix, p_rows)(idx0, tab)
    return planar.reshape(C, b, h, w).transpose(1, 2, 3, 0)

# --- scband reference (transcript-rebuilt; emitter-appended) ---
"""Pipeline reference for scband-normals-renderer-20289425507073 (READ-ONLY COPY).

The authoritative reference and input builder live on the scoring server;
editing this copy changes nothing except your own understanding.
"""

import jax, jax.numpy as jnp
import numpy as np

BACKGROUND = jnp.array([1.0, 1.0, 1.0], dtype=jnp.float32)

B, H, W, K = 4, 512, 512, 8
P = 100000


def setup_inputs(seed: int = 0):
    key = jax.random.key(seed)
    k1, k2 = jax.random.split(key)
    fragments_idx = jax.random.randint(k1, (B, H, W, K), 0, P, dtype=jnp.int32)
    normals = jax.random.normal(k2, (P, 3), dtype=jnp.float32)
    return {"fragments_idx": fragments_idx, "normals": normals}


def _alpha_composite(idx, alphas, features):
    # idx, alphas: [N, K, H, W]; features: [C, P]
    # pytorch3d accum_alphacomposite: front-to-back compositing with
    # weight_k = alpha_k * prod_{j<k} (1 - alpha_j)
    Pn = features.shape[1]
    safe_idx = jnp.clip(idx, 0, Pn - 1)
    gathered = jnp.take(features, safe_idx, axis=1)  # [C, N, K, H, W]
    one_minus = 1.0 - alphas
    cum = jnp.cumprod(one_minus, axis=1)
    trans = jnp.concatenate([jnp.ones_like(cum[:, :1]), cum[:, :-1]], axis=1)
    w = alphas * trans  # [N, K, H, W]
    valid = (idx >= 0).astype(jnp.float32)
    images = jnp.sum(gathered * (w * valid)[None], axis=2)  # [C, N, H, W]
    return jnp.transpose(images, (1, 0, 2, 3))  # [N, C, H, W]


def reference(fragments_idx, normals):
    # weights = (idx != -1).float().permute(0, 3, 1, 2)
    idx = jnp.transpose(fragments_idx, (0, 3, 1, 2))  # [N, K, H, W]
    weights = (idx != -1).astype(jnp.float32)
    # scaled_normals = clamp((normals + 1)/2, 0, 1).permute(1, 0)
    scaled = jnp.clip((normals + 1.0) / 2.0, 0.0, 1.0)
    features = jnp.transpose(scaled, (1, 0))  # [C, P]
    images = _alpha_composite(idx, weights, features)  # [N, C, H, W]
    # AlphaCompositor background: pixels where the first point index < 0
    # are fully replaced by the background color
    bg_mask = idx[:, 0] < 0  # [N, H, W]
    images = jnp.where(bg_mask[:, None, :, :], BACKGROUND[None, :, None, None], images)
    return jnp.transpose(images, (0, 2, 3, 1))  # [N, H, W, C]

if __name__ == "__main__":
    import jax
    _d = setup_inputs()
    print(jax.jit(kernel)(*tuple(_d.values())))

</pallas_src>

<mosaic_0001>
#map = affine_map<(d0, d1) -> (0)>
#map1 = affine_map<(d0, d1) -> (0, 0)>
module attributes {stable_mosaic.version = 14 : i64} {
  func.func @render(%arg0: i32, %arg1: i32, %arg2: memref<1048576xi32, #tpu.memory_space<hbm>>, %arg3: memref<3x100000xf32, #tpu.memory_space<hbm>>, %arg4: memref<3x1048576xf32, #tpu.memory_space<hbm>>, %arg5: memref<100000xf32, #tpu.memory_space<vmem>>, %arg6: memref<4096xi32, #tpu.memory_space<vmem>>, %arg7: memref<4096xi32, #tpu.memory_space<vmem>>, %arg8: memref<4096xf32, #tpu.memory_space<vmem>>, %arg9: memref<4096xf32, #tpu.memory_space<vmem>>, %arg10: memref<!tpu.dma_semaphore, #tpu.memory_space<semaphore_mem>>, %arg11: memref<!tpu.dma_semaphore, #tpu.memory_space<semaphore_mem>>, %arg12: memref<!tpu.dma_semaphore, #tpu.memory_space<semaphore_mem>>, %arg13: memref<!tpu.dma_semaphore, #tpu.memory_space<semaphore_mem>>) attributes {dimension_semantics = [#tpu.dimension_semantics<core_parallel>, #tpu.dimension_semantics<subcore_parallel>], iteration_bounds = array<i64: 2, 16>, scalar_prefetch = 0 : i64, scratch_operands = 9 : i64, tpu.core_type = #tpu.core_type<sc_vector_subcore>, window_params = [{transform_indices = #map}, {transform_indices = #map1}, {transform_indices = #map1}]} {
    %mul3A = arith.constant 2 : i32
    %mul3A_0 = arith.muli %arg1, %mul3A : i32
    %add3A = arith.addi %mul3A_0, %arg0 : i32
    %jit3A = arith.constant 3 : i32
    %eq3A = arith.constant 0 : i32
    %eq3A_1 = arith.cmpi eq, %jit3A, %eq3A : i32
    %jit3A_2 = arith.constant 1 : i32
    %select_n3A = arith.select %eq3A_1, %jit3A_2, %jit3A : i32
    %rem3A = arith.remsi %add3A, %select_n3A : i32
    %ne3A = arith.constant 0 : i32
    %ne3A_3 = arith.cmpi ne, %rem3A, %ne3A : i32
    %lt3A = arith.constant 0 : i32
    %lt3A_4 = arith.cmpi slt, %rem3A, %lt3A : i32
    %lt3A_5 = arith.constant 0 : i32
    %lt3A_6 = arith.cmpi slt, %select_n3A, %lt3A_5 : i32
    %ne3A_7 = arith.xori %lt3A_4, %lt3A_6 : i1
    %and3A = arith.andi %ne3A_7, %ne3A_3 : i1
    %add3A_8 = arith.addi %rem3A, %select_n3A : i32
    %select_n3A_9 = arith.select %and3A, %add3A_8, %rem3A : i32
    %jit3A_10 = arith.constant 3 : i32
    %div3A = arith.divsi %add3A, %jit3A_10 : i32
    %sign3A = arith.constant 0 : i32
    %sign3A_11 = arith.cmpi sgt, %add3A, %sign3A : i32
    %sign3A_12 = arith.extui %sign3A_11 : i1 to i32
    %sign3A_13 = arith.constant 0 : i32
    %sign3A_14 = arith.cmpi slt, %add3A, %sign3A_13 : i32
    %sign3A_15 = arith.extui %sign3A_14 : i1 to i32
    %sign3A_16 = arith.subi %sign3A_12, %sign3A_15 : i32
    %sign3A_17 = arith.constant 0 : i32
    %sign3A_18 = arith.cmpi sgt, %jit3A_10, %sign3A_17 : i32
    %sign3A_19 = arith.extui %sign3A_18 : i1 to i32
    %sign3A_20 = arith.constant 0 : i32
    %sign3A_21 = arith.cmpi slt, %jit3A_10, %sign3A_20 : i32
    %sign3A_22 = arith.extui %sign3A_21 : i1 to i32
    %sign3A_23 = arith.subi %sign3A_19, %sign3A_22 : i32
    %ne3A_24 = arith.cmpi ne, %sign3A_16, %sign3A_23 : i32
    %rem3A_25 = arith.remsi %add3A, %jit3A_10 : i32
    %ne3A_26 = arith.constant 0 : i32
    %ne3A_27 = arith.cmpi ne, %rem3A_25, %ne3A_26 : i32
    %and3A_28 = arith.andi %ne3A_24, %ne3A_27 : i1
    %sub3A = arith.constant 1 : i32
    %sub3A_29 = arith.subi %div3A, %sub3A : i32
    %select_n3A_30 = arith.select %and3A_28, %sub3A_29, %div3A : i32
    %lt3A_31 = arith.constant 2 : i32
    %lt3A_32 = arith.cmpi slt, %select_n3A_9, %lt3A_31 : i32
    %jit3A_33 = arith.constant 11 : i32
    %jit3A_34 = arith.constant 10 : i32
    %select_n3A_35 = arith.select %lt3A_32, %jit3A_33, %jit3A_34 : i32
    %sub3A_36 = arith.constant 256 : i32
    %sub3A_37 = arith.subi %sub3A_36, %select_n3A_30 : i32
    %add3A_38 = arith.addi %sub3A_37, %select_n3A_35 : i32
    %sub3A_39 = arith.constant 1 : i32
    %sub3A_40 = arith.subi %add3A_38, %sub3A_39 : i32
    %div3A_41 = arith.divsi %sub3A_40, %select_n3A_35 : i32
    %sign3A_42 = arith.constant 0 : i32
    %sign3A_43 = arith.cmpi sgt, %sub3A_40, %sign3A_42 : i32
    %sign3A_44 = arith.extui %sign3A_43 : i1 to i32
    %sign3A_45 = arith.constant 0 : i32
    %sign3A_46 = arith.cmpi slt, %sub3A_40, %sign3A_45 : i32
    %sign3A_47 = arith.extui %sign3A_46 : i1 to i32
    %sign3A_48 = arith.subi %sign3A_44, %sign3A_47 : i32
    %sign3A_49 = arith.constant 0 : i32
    %sign3A_50 = arith.cmpi sgt, %select_n3A_35, %sign3A_49 : i32
    %sign3A_51 = arith.extui %sign3A_50 : i1 to i32
    %sign3A_52 = arith.constant 0 : i32
    %sign3A_53 = arith.cmpi slt, %select_n3A_35, %sign3A_52 : i32
    %sign3A_54 = arith.extui %sign3A_53 : i1 to i32
    %sign3A_55 = arith.subi %sign3A_51, %sign3A_54 : i32
    %ne3A_56 = arith.cmpi ne, %sign3A_48, %sign3A_55 : i32
    %rem3A_57 = arith.remsi %sub3A_40, %select_n3A_35 : i32
    %ne3A_58 = arith.constant 0 : i32
    %ne3A_59 = arith.cmpi ne, %rem3A_57, %ne3A_58 : i32
    %and3A_60 = arith.andi %ne3A_56, %ne3A_59 : i1
    %sub3A_61 = arith.constant 1 : i32
    %sub3A_62 = arith.subi %div3A_41, %sub3A_61 : i32
    %select_n3A_63 = arith.select %and3A_60, %sub3A_62, %div3A_41 : i32
    "tpu.region"() ({
      %run_scoped3A = tpu.sem_alloc : memref<!tpu.dma_semaphore, #tpu.memory_space<semaphore_mem>>
      %dma_start3A = arith.constant 0 : i32
      %dma_start3A_92 = tpu.memref_slice %arg3[%select_n3A_9, %dma_start3A] : memref<3x100000xf32, #tpu.memory_space<hbm>> -> memref<1x100000xf32, #tpu.memory_space<hbm>>
      %dma_start3A_93 = tpu.memref_squeeze %dma_start3A_92 : memref<1x100000xf32, #tpu.memory_space<hbm>> -> memref<100000xf32, #tpu.memory_space<hbm>>
      %dma_start3A_94 = arith.constant 0 : i32
      %dma_start3A_95 = tpu.memref_slice %arg3[%select_n3A_9, %dma_start3A_94] : memref<3x100000xf32, #tpu.memory_space<hbm>> -> memref<1x100000xf32, #tpu.memory_space<hbm>>
      %dma_start3A_96 = tpu.memref_squeeze %dma_start3A_95 : memref<1x100000xf32, #tpu.memory_space<hbm>> -> memref<100000xf32, #tpu.memory_space<hbm>>
      tpu.enqueue_dma source(%dma_start3A_96 : memref<100000xf32, #tpu.memory_space<hbm>>) target(%arg5 : memref<100000xf32, #tpu.memory_space<vmem>>) target_semaphore(%run_scoped3A : memref<!tpu.dma_semaphore, #tpu.memory_space<semaphore_mem>>)
      %dma_wait3A = arith.constant 0 : i32
      %dma_wait3A_97 = tpu.memref_slice %arg3[%select_n3A_9, %dma_wait3A] : memref<3x100000xf32, #tpu.memory_space<hbm>> -> memref<1x100000xf32, #tpu.memory_space<hbm>>
      %dma_wait3A_98 = tpu.memref_squeeze %dma_wait3A_97 : memref<1x100000xf32, #tpu.memory_space<hbm>> -> memref<100000xf32, #tpu.memory_space<hbm>>
      %dma_wait3A_99 = arith.constant 0 : i32
      %dma_wait3A_100 = tpu.memref_slice %arg3[%select_n3A_9, %dma_wait3A_99] : memref<3x100000xf32, #tpu.memory_space<hbm>> -> memref<1x100000xf32, #tpu.memory_space<hbm>>
      %dma_wait3A_101 = tpu.memref_squeeze %dma_wait3A_100 : memref<1x100000xf32, #tpu.memory_space<hbm>> -> memref<100000xf32, #tpu.memory_space<hbm>>
      tpu.wait_dma2 semaphore(%run_scoped3A : memref<!tpu.dma_semaphore, #tpu.memory_space<semaphore_mem>>) src(%dma_wait3A_101 : memref<100000xf32, #tpu.memory_space<hbm>>) dst(%arg5 : memref<100000xf32, #tpu.memory_space<vmem>>)
      tpu.yield
    }) : () -> ()
    %mul3A_64 = arith.constant 0 : i32
    %mul3A_65 = arith.muli %mul3A_64, %select_n3A_35 : i32
    %add3A_66 = arith.addi %select_n3A_30, %mul3A_65 : i32
    %lt3A_67 = arith.constant 256 : i32
    %lt3A_68 = arith.cmpi slt, %add3A_66, %lt3A_67 : i32
    %convert_element_type3A = arith.extui %lt3A_68 : i1 to i32
    %cond3A = arith.constant 0 : i32
    %cond3A_69 = arith.cmpi ne, %convert_element_type3A, %cond3A : i32
    scf.if %cond3A_69 {
      %mul3A_92 = arith.constant 0 : i32
      %mul3A_93 = arith.muli %mul3A_92, %select_n3A_35 : i32
      %add3A_94 = arith.addi %select_n3A_30, %mul3A_93 : i32
      %mul3A_95 = arith.constant 4096 : i32
      %mul3A_96 = arith.muli %add3A_94, %mul3A_95 : i32
      %dma_start3A = tpu.memref_slice %arg2[%mul3A_96] : memref<1048576xi32, #tpu.memory_space<hbm>> -> memref<4096xi32, #tpu.memory_space<hbm>>
      %dma_start3A_97 = tpu.memref_slice %arg2[%mul3A_96] : memref<1048576xi32, #tpu.memory_space<hbm>> -> memref<4096xi32, #tpu.memory_space<hbm>>
      tpu.enqueue_dma source(%dma_start3A_97 : memref<4096xi32, #tpu.memory_space<hbm>>) target(%arg6 : memref<4096xi32, #tpu.memory_space<vmem>>) target_semaphore(%arg10 : memref<!tpu.dma_semaphore, #tpu.memory_space<semaphore_mem>>)
    } else {
    }
    %mul3A_70 = arith.constant 1 : i32
    %mul3A_71 = arith.muli %mul3A_70, %select_n3A_35 : i32
    %add3A_72 = arith.addi %select_n3A_30, %mul3A_71 : i32
    %lt3A_73 = arith.constant 256 : i32
    %lt3A_74 = arith.cmpi slt, %add3A_72, %lt3A_73 : i32
    %convert_element_type3A_75 = arith.extui %lt3A_74 : i1 to i32
    %cond3A_76 = arith.constant 0 : i32
    %cond3A_77 = arith.cmpi ne, %convert_element_type3A_75, %cond3A_76 : i32
    scf.if %cond3A_77 {
      %mul3A_92 = arith.constant 1 : i32
      %mul3A_93 = arith.muli %mul3A_92, %select_n3A_35 : i32
      %add3A_94 = arith.addi %select_n3A_30, %mul3A_93 : i32
      %mul3A_95 = arith.constant 4096 : i32
      %mul3A_96 = arith.muli %add3A_94, %mul3A_95 : i32
      %dma_start3A = tpu.memref_slice %arg2[%mul3A_96] : memref<1048576xi32, #tpu.memory_space<hbm>> -> memref<4096xi32, #tpu.memory_space<hbm>>
      %dma_start3A_97 = tpu.memref_slice %arg2[%mul3A_96] : memref<1048576xi32, #tpu.memory_space<hbm>> -> memref<4096xi32, #tpu.memory_space<hbm>>
      tpu.enqueue_dma source(%dma_start3A_97 : memref<4096xi32, #tpu.memory_space<hbm>>) target(%arg7 : memref<4096xi32, #tpu.memory_space<vmem>>) target_semaphore(%arg11 : memref<!tpu.dma_semaphore, #tpu.memory_space<semaphore_mem>>)
    } else {
    }
    %scan3A = arith.constant 0 : i32
    %scan3A_78 = arith.constant 0 : i32
    %scan3A_79 = arith.constant 13 : i32
    %scan3A_80 = arith.addi %scan3A_78, %scan3A_79 : i32
    %scan3A_81 = arith.constant 1 : i32
    scf.for %scan3A_92 = %scan3A_78 to %scan3A_80 step %scan3A_81  : i32 {
      %mul3A_93 = arith.constant 2 : i32
      %mul3A_94 = arith.muli %mul3A_93, %scan3A_92 : i32
      %gt3A = arith.constant 0 : i32
      %gt3A_95 = arith.cmpi sgt, %scan3A_92, %gt3A : i32
      %mul3A_96 = arith.muli %mul3A_94, %select_n3A_35 : i32
      %add3A_97 = arith.addi %select_n3A_30, %mul3A_96 : i32
      %lt3A_98 = arith.constant 256 : i32
      %lt3A_99 = arith.cmpi slt, %add3A_97, %lt3A_98 : i32
      %convert_element_type3A_100 = arith.extui %lt3A_99 : i1 to i32
      %cond3A_101 = arith.constant 0 : i32
      %cond3A_102 = arith.cmpi ne, %convert_element_type3A_100, %cond3A_101 : i32
      scf.if %cond3A_102 {
        %mul3A_116 = arith.muli %mul3A_94, %select_n3A_35 : i32
        %add3A_117 = arith.addi %select_n3A_30, %mul3A_116 : i32
        %mul3A_118 = arith.constant 4096 : i32
        %mul3A_119 = arith.muli %add3A_117, %mul3A_118 : i32
        %dma_wait3A = tpu.memref_slice %arg2[%mul3A_119] : memref<1048576xi32, #tpu.memory_space<hbm>> -> memref<4096xi32, #tpu.memory_space<hbm>>
        %dma_wait3A_120 = tpu.memref_slice %arg2[%mul3A_119] : memref<1048576xi32, #tpu.memory_space<hbm>> -> memref<4096xi32, #tpu.memory_space<hbm>>
        tpu.wait_dma2 semaphore(%arg10 : memref<!tpu.dma_semaphore, #tpu.memory_space<semaphore_mem>>) src(%dma_wait3A_120 : memref<4096xi32, #tpu.memory_space<hbm>>) dst(%arg6 : memref<4096xi32, #tpu.memory_space<vmem>>)
        %convert_element_type3A_121 = arith.extui %gt3A_95 : i1 to i32
        %cond3A_122 = arith.constant 0 : i32
        %cond3A_123 = arith.cmpi ne, %convert_element_type3A_121, %cond3A_122 : i32
        scf.if %cond3A_123 {
          %mul3A_142 = arith.muli %mul3A_94, %select_n3A_35 : i32
          %add3A_143 = arith.addi %select_n3A_30, %mul3A_142 : i32
          %mul3A_144 = arith.constant 4096 : i32
          %mul3A_145 = arith.muli %add3A_143, %mul3A_144 : i32
          %dma_wait3A_146 = tpu.memref_slice %arg4[%select_n3A_9, %mul3A_145] : memref<3x1048576xf32, #tpu.memory_space<hbm>> -> memref<1x4096xf32, #tpu.memory_space<hbm>>
          %dma_wait3A_147 = tpu.memref_squeeze %dma_wait3A_146 : memref<1x4096xf32, #tpu.memory_space<hbm>> -> memref<4096xf32, #tpu.memory_space<hbm>>
          %dma_wait3A_148 = tpu.memref_slice %arg4[%select_n3A_9, %mul3A_145] : memref<3x1048576xf32, #tpu.memory_space<hbm>> -> memref<1x4096xf32, #tpu.memory_space<hbm>>
          %dma_wait3A_149 = tpu.memref_squeeze %dma_wait3A_148 : memref<1x4096xf32, #tpu.memory_space<hbm>> -> memref<4096xf32, #tpu.memory_space<hbm>>
          tpu.wait_dma2 semaphore(%arg12 : memref<!tpu.dma_semaphore, #tpu.memory_space<semaphore_mem>>) src(%arg8 : memref<4096xf32, #tpu.memory_space<vmem>>) dst(%dma_wait3A_149 : memref<4096xf32, #tpu.memory_space<hbm>>)
        } else {
        }
        %parallel_loop3A = arith.constant 0 : i32
        %parallel_loop3A_124 = arith.constant 4096 : i32
        %parallel_loop3A_125 = arith.constant 16 : i32
        scf.for %parallel_loop3A_142 = %parallel_loop3A to %parallel_loop3A_124 step %parallel_loop3A_125  : i32 {
          %parallel_loop3A_143 = arith.index_cast %parallel_loop3A_142 : i32 to index
          %parallel_loop3A_144 = tpu.vector_load %arg6[%parallel_loop3A_143] {strides = array<i32>} : memref<4096xi32, #tpu.memory_space<vmem>>, vector<16xi32>,
          %parallel_loop3A_145 = arith.constant 0 : i32
          %parallel_loop3A_146 = vector.broadcast %parallel_loop3A_145 : i32 to vector<16xi32>
          %parallel_loop3A_147 = arith.maxsi %parallel_loop3A_144, %parallel_loop3A_146 : vector<16xi32>
          %parallel_loop3A_148 = arith.constant 99999 : i32
          %parallel_loop3A_149 = vector.broadcast %parallel_loop3A_148 : i32 to vector<16xi32>
          %parallel_loop3A_150 = arith.minsi %parallel_loop3A_147, %parallel_loop3A_149 : vector<16xi32>
          %parallel_loop3A_151 = tpu.vector_load_idx %arg5[%parallel_loop3A_150] : memref<100000xf32, #tpu.memory_space<vmem>>[vector<16xi32>], vector<16xf32>,
          %parallel_loop3A_152 = arith.constant 5.000000e-01 : f32
          %parallel_loop3A_153 = vector.broadcast %parallel_loop3A_152 : f32 to vector<16xf32>
          %parallel_loop3A_154 = arith.mulf %parallel_loop3A_151, %parallel_loop3A_153 : vector<16xf32>
          %parallel_loop3A_155 = arith.constant 5.000000e-01 : f32
          %parallel_loop3A_156 = vector.broadcast %parallel_loop3A_155 : f32 to vector<16xf32>
          %parallel_loop3A_157 = arith.addf %parallel_loop3A_154, %parallel_loop3A_156 : vector<16xf32>
          %parallel_loop3A_158 = arith.constant 0.000000e+00 : f32
          %parallel_loop3A_159 = vector.broadcast %parallel_loop3A_158 : f32 to vector<16xf32>
          %parallel_loop3A_160 = arith.maximumf %parallel_loop3A_157, %parallel_loop3A_159 : vector<16xf32>
          %parallel_loop3A_161 = arith.constant 1.000000e+00 : f32
          %parallel_loop3A_162 = vector.broadcast %parallel_loop3A_161 : f32 to vector<16xf32>
          %parallel_loop3A_163 = arith.minimumf %parallel_loop3A_160, %parallel_loop3A_162 : vector<16xf32>
          %parallel_loop3A_164 = arith.constant 0 : i32
          %parallel_loop3A_165 = vector.broadcast %parallel_loop3A_164 : i32 to vector<16xi32>
          %parallel_loop3A_166 = arith.cmpi slt, %parallel_loop3A_144, %parallel_loop3A_165 : vector<16xi32>
          %parallel_loop3A_167 = arith.constant 1.000000e+00 : f32
          %parallel_loop3A_168 = vector.broadcast %parallel_loop3A_167 : f32 to vector<16xf32>
          %parallel_loop3A_169 = arith.select %parallel_loop3A_166, %parallel_loop3A_168, %parallel_loop3A_163 : vector<16xi1>, vector<16xf32>
          %parallel_loop3A_170 = arith.index_cast %parallel_loop3A_142 : i32 to index
          %parallel_loop3A_171 = tpu.vector_load %arg8[%parallel_loop3A_170] {strides = array<i32>} : memref<4096xf32, #tpu.memory_space<vmem>>, vector<16xf32>,
          tpu.vector_store %arg8[%parallel_loop3A_170], %parallel_loop3A_169 {strides = array<i32>} : memref<4096xf32, #tpu.memory_space<vmem>>, vector<16xf32>,
        } {sc.loop_unroll_factor = 8 : i64, sc.parallel_access}
        %mul3A_126 = arith.muli %mul3A_94, %select_n3A_35 : i32
        %add3A_127 = arith.addi %select_n3A_30, %mul3A_126 : i32
        %mul3A_128 = arith.constant 4096 : i32
        %mul3A_129 = arith.muli %add3A_127, %mul3A_128 : i32
        %dma_start3A = tpu.memref_slice %arg4[%select_n3A_9, %mul3A_129] : memref<3x1048576xf32, #tpu.memory_space<hbm>> -> memref<1x4096xf32, #tpu.memory_space<hbm>>
        %dma_start3A_130 = tpu.memref_squeeze %dma_start3A : memref<1x4096xf32, #tpu.memory_space<hbm>> -> memref<4096xf32, #tpu.memory_space<hbm>>
        %dma_start3A_131 = tpu.memref_slice %arg4[%select_n3A_9, %mul3A_129] : memref<3x1048576xf32, #tpu.memory_space<hbm>> -> memref<1x4096xf32, #tpu.memory_space<hbm>>
        %dma_start3A_132 = tpu.memref_squeeze %dma_start3A_131 : memref<1x4096xf32, #tpu.memory_space<hbm>> -> memref<4096xf32, #tpu.memory_space<hbm>>
        tpu.enqueue_dma source(%arg8 : memref<4096xf32, #tpu.memory_space<vmem>>) target(%dma_start3A_132 : memref<4096xf32, #tpu.memory_space<hbm>>) target_semaphore(%arg12 : memref<!tpu.dma_semaphore, #tpu.memory_space<semaphore_mem>>)
        %add3A_133 = arith.constant 2 : i32
        %add3A_134 = arith.addi %mul3A_94, %add3A_133 : i32
        %mul3A_135 = arith.muli %add3A_134, %select_n3A_35 : i32
        %add3A_136 = arith.addi %select_n3A_30, %mul3A_135 : i32
        %lt3A_137 = arith.constant 256 : i32
        %lt3A_138 = arith.cmpi slt, %add3A_136, %lt3A_137 : i32
        %convert_element_type3A_139 = arith.extui %lt3A_138 : i1 to i32
        %cond3A_140 = arith.constant 0 : i32
        %cond3A_141 = arith.cmpi ne, %convert_element_type3A_139, %cond3A_140 : i32
        scf.if %cond3A_141 {
          %mul3A_142 = arith.muli %add3A_134, %select_n3A_35 : i32
          %add3A_143 = arith.addi %select_n3A_30, %mul3A_142 : i32
          %mul3A_144 = arith.constant 4096 : i32
          %mul3A_145 = arith.muli %add3A_143, %mul3A_144 : i32
          %dma_start3A_146 = tpu.memref_slice %arg2[%mul3A_145] : memref<1048576xi32, #tpu.memory_space<hbm>> -> memref<4096xi32, #tpu.memory_space<hbm>>
          %dma_start3A_147 = tpu.memref_slice %arg2[%mul3A_145] : memref<1048576xi32, #tpu.memory_space<hbm>> -> memref<4096xi32, #tpu.memory_space<hbm>>
          tpu.enqueue_dma source(%dma_start3A_147 : memref<4096xi32, #tpu.memory_space<hbm>>) target(%arg6 : memref<4096xi32, #tpu.memory_space<vmem>>) target_semaphore(%arg10 : memref<!tpu.dma_semaphore, #tpu.memory_space<semaphore_mem>>)
        } else {
        }
      } else {
      }
      %mul3A_103 = arith.constant 2 : i32
      %mul3A_104 = arith.muli %mul3A_103, %scan3A_92 : i32
      %add3A_105 = arith.constant 1 : i32
      %add3A_106 = arith.addi %mul3A_104, %add3A_105 : i32
      %gt3A_107 = arith.constant 0 : i32
      %gt3A_108 = arith.cmpi sgt, %scan3A_92, %gt3A_107 : i32
      %mul3A_109 = arith.muli %add3A_106, %select_n3A_35 : i32
      %add3A_110 = arith.addi %select_n3A_30, %mul3A_109 : i32
      %lt3A_111 = arith.constant 256 : i32
      %lt3A_112 = arith.cmpi slt, %add3A_110, %lt3A_111 : i32
      %convert_element_type3A_113 = arith.extui %lt3A_112 : i1 to i32
      %cond3A_114 = arith.constant 0 : i32
      %cond3A_115 = arith.cmpi ne, %convert_element_type3A_113, %cond3A_114 : i32
      scf.if %cond3A_115 {
        %mul3A_116 = arith.muli %add3A_106, %select_n3A_35 : i32
        %add3A_117 = arith.addi %select_n3A_30, %mul3A_116 : i32
        %mul3A_118 = arith.constant 4096 : i32
        %mul3A_119 = arith.muli %add3A_117, %mul3A_118 : i32
        %dma_wait3A = tpu.memref_slice %arg2[%mul3A_119] : memref<1048576xi32, #tpu.memory_space<hbm>> -> memref<4096xi32, #tpu.memory_space<hbm>>
        %dma_wait3A_120 = tpu.memref_slice %arg2[%mul3A_119] : memref<1048576xi32, #tpu.memory_space<hbm>> -> memref<4096xi32, #tpu.memory_space<hbm>>
        tpu.wait_dma2 semaphore(%arg11 : memref<!tpu.dma_semaphore, #tpu.memory_space<semaphore_mem>>) src(%dma_wait3A_120 : memref<4096xi32, #tpu.memory_space<hbm>>) dst(%arg7 : memref<4096xi32, #tpu.memory_space<vmem>>)
        %convert_element_type3A_121 = arith.extui %gt3A_108 : i1 to i32
        %cond3A_122 = arith.constant 0 : i32
        %cond3A_123 = arith.cmpi ne, %convert_element_type3A_121, %cond3A_122 : i32
        scf.if %cond3A_123 {
          %mul3A_142 = arith.muli %add3A_106, %select_n3A_35 : i32
          %add3A_143 = arith.addi %select_n3A_30, %mul3A_142 : i32
          %mul3A_144 = arith.constant 4096 : i32
          %mul3A_145 = arith.muli %add3A_143, %mul3A_144 : i32
          %dma_wait3A_146 = tpu.memref_slice %arg4[%select_n3A_9, %mul3A_145] : memref<3x1048576xf32, #tpu.memory_space<hbm>> -> memref<1x4096xf32, #tpu.memory_space<hbm>>
          %dma_wait3A_147 = tpu.memref_squeeze %dma_wait3A_146 : memref<1x4096xf32, #tpu.memory_space<hbm>> -> memref<4096xf32, #tpu.memory_space<hbm>>
          %dma_wait3A_148 = tpu.memref_slice %arg4[%select_n3A_9, %mul3A_145] : memref<3x1048576xf32, #tpu.memory_space<hbm>> -> memref<1x4096xf32, #tpu.memory_space<hbm>>
          %dma_wait3A_149 = tpu.memref_squeeze %dma_wait3A_148 : memref<1x4096xf32, #tpu.memory_space<hbm>> -> memref<4096xf32, #tpu.memory_space<hbm>>
          tpu.wait_dma2 semaphore(%arg13 : memref<!tpu.dma_semaphore, #tpu.memory_space<semaphore_mem>>) src(%arg9 : memref<4096xf32, #tpu.memory_space<vmem>>) dst(%dma_wait3A_149 : memref<4096xf32, #tpu.memory_space<hbm>>)
        } else {
        }
        %parallel_loop3A = arith.constant 0 : i32
        %parallel_loop3A_124 = arith.constant 4096 : i32
        %parallel_loop3A_125 = arith.constant 16 : i32
        scf.for %parallel_loop3A_142 = %parallel_loop3A to %parallel_loop3A_124 step %parallel_loop3A_125  : i32 {
          %parallel_loop3A_143 = arith.index_cast %parallel_loop3A_142 : i32 to index
          %parallel_loop3A_144 = tpu.vector_load %arg7[%parallel_loop3A_143] {strides = array<i32>} : memref<4096xi32, #tpu.memory_space<vmem>>, vector<16xi32>,
          %parallel_loop3A_145 = arith.constant 0 : i32
          %parallel_loop3A_146 = vector.broadcast %parallel_loop3A_145 : i32 to vector<16xi32>
          %parallel_loop3A_147 = arith.maxsi %parallel_loop3A_144, %parallel_loop3A_146 : vector<16xi32>
          %parallel_loop3A_148 = arith.constant 99999 : i32
          %parallel_loop3A_149 = vector.broadcast %parallel_loop3A_148 : i32 to vector<16xi32>
          %parallel_loop3A_150 = arith.minsi %parallel_loop3A_147, %parallel_loop3A_149 : vector<16xi32>
          %parallel_loop3A_151 = tpu.vector_load_idx %arg5[%parallel_loop3A_150] : memref<100000xf32, #tpu.memory_space<vmem>>[vector<16xi32>], vector<16xf32>,
          %parallel_loop3A_152 = arith.constant 5.000000e-01 : f32
          %parallel_loop3A_153 = vector.broadcast %parallel_loop3A_152 : f32 to vector<16xf32>
          %parallel_loop3A_154 = arith.mulf %parallel_loop3A_151, %parallel_loop3A_153 : vector<16xf32>
          %parallel_loop3A_155 = arith.constant 5.000000e-01 : f32
          %parallel_loop3A_156 = vector.broadcast %parallel_loop3A_155 : f32 to vector<16xf32>
          %parallel_loop3A_157 = arith.addf %parallel_loop3A_154, %parallel_loop3A_156 : vector<16xf32>
          %parallel_loop3A_158 = arith.constant 0.000000e+00 : f32
          %parallel_loop3A_159 = vector.broadcast %parallel_loop3A_158 : f32 to vector<16xf32>
          %parallel_loop3A_160 = arith.maximumf %parallel_loop3A_157, %parallel_loop3A_159 : vector<16xf32>
          %parallel_loop3A_161 = arith.constant 1.000000e+00 : f32
          %parallel_loop3A_162 = vector.broadcast %parallel_loop3A_161 : f32 to vector<16xf32>
          %parallel_loop3A_163 = arith.minimumf %parallel_loop3A_160, %parallel_loop3A_162 : vector<16xf32>
          %parallel_loop3A_164 = arith.constant 0 : i32
          %parallel_loop3A_165 = vector.broadcast %parallel_loop3A_164 : i32 to vector<16xi32>
          %parallel_loop3A_166 = arith.cmpi slt, %parallel_loop3A_144, %parallel_loop3A_165 : vector<16xi32>
          %parallel_loop3A_167 = arith.constant 1.000000e+00 : f32
          %parallel_loop3A_168 = vector.broadcast %parallel_loop3A_167 : f32 to vector<16xf32>
          %parallel_loop3A_169 = arith.select %parallel_loop3A_166, %parallel_loop3A_168, %parallel_loop3A_163 : vector<16xi1>, vector<16xf32>
          %parallel_loop3A_170 = arith.index_cast %parallel_loop3A_142 : i32 to index
          %parallel_loop3A_171 = tpu.vector_load %arg9[%parallel_loop3A_170] {strides = array<i32>} : memref<4096xf32, #tpu.memory_space<vmem>>, vector<16xf32>,
          tpu.vector_store %arg9[%parallel_loop3A_170], %parallel_loop3A_169 {strides = array<i32>} : memref<4096xf32, #tpu.memory_space<vmem>>, vector<16xf32>,
        } {sc.loop_unroll_factor = 8 : i64, sc.parallel_access}
        %mul3A_126 = arith.muli %add3A_106, %select_n3A_35 : i32
        %add3A_127 = arith.addi %select_n3A_30, %mul3A_126 : i32
        %mul3A_128 = arith.constant 4096 : i32
        %mul3A_129 = arith.muli %add3A_127, %mul3A_128 : i32
        %dma_start3A = tpu.memref_slice %arg4[%select_n3A_9, %mul3A_129] : memref<3x1048576xf32, #tpu.memory_space<hbm>> -> memref<1x4096xf32, #tpu.memory_space<hbm>>
        %dma_start3A_130 = tpu.memref_squeeze %dma_start3A : memref<1x4096xf32, #tpu.memory_space<hbm>> -> memref<4096xf32, #tpu.memory_space<hbm>>
        %dma_start3A_131 = tpu.memref_slice %arg4[%select_n3A_9, %mul3A_129] : memref<3x1048576xf32, #tpu.memory_space<hbm>> -> memref<1x4096xf32, #tpu.memory_space<hbm>>
        %dma_start3A_132 = tpu.memref_squeeze %dma_start3A_131 : memref<1x4096xf32, #tpu.memory_space<hbm>> -> memref<4096xf32, #tpu.memory_space<hbm>>
        tpu.enqueue_dma source(%arg9 : memref<4096xf32, #tpu.memory_space<vmem>>) target(%dma_start3A_132 : memref<4096xf32, #tpu.memory_space<hbm>>) target_semaphore(%arg13 : memref<!tpu.dma_semaphore, #tpu.memory_space<semaphore_mem>>)
        %add3A_133 = arith.constant 2 : i32
        %add3A_134 = arith.addi %add3A_106, %add3A_133 : i32
        %mul3A_135 = arith.muli %add3A_134, %select_n3A_35 : i32
        %add3A_136 = arith.addi %select_n3A_30, %mul3A_135 : i32
        %lt3A_137 = arith.constant 256 : i32
        %lt3A_138 = arith.cmpi slt, %add3A_136, %lt3A_137 : i32
        %convert_element_type3A_139 = arith.extui %lt3A_138 : i1 to i32
        %cond3A_140 = arith.constant 0 : i32
        %cond3A_141 = arith.cmpi ne, %convert_element_type3A_139, %cond3A_140 : i32
        scf.if %cond3A_141 {
          %mul3A_142 = arith.muli %add3A_134, %select_n3A_35 : i32
          %add3A_143 = arith.addi %select_n3A_30, %mul3A_142 : i32
          %mul3A_144 = arith.constant 4096 : i32
          %mul3A_145 = arith.muli %add3A_143, %mul3A_144 : i32
          %dma_start3A_146 = tpu.memref_slice %arg2[%mul3A_145] : memref<1048576xi32, #tpu.memory_space<hbm>> -> memref<4096xi32, #tpu.memory_space<hbm>>
          %dma_start3A_147 = tpu.memref_slice %arg2[%mul3A_145] : memref<1048576xi32, #tpu.memory_space<hbm>> -> memref<4096xi32, #tpu.memory_space<hbm>>
          tpu.enqueue_dma source(%dma_start3A_147 : memref<4096xi32, #tpu.memory_space<hbm>>) target(%arg7 : memref<4096xi32, #tpu.memory_space<vmem>>) target_semaphore(%arg11 : memref<!tpu.dma_semaphore, #tpu.memory_space<semaphore_mem>>)
        } else {
        }
      } else {
      }
    }
    %scan3A_82 = arith.constant 13 : i32
    %ge3A = arith.constant 1 : i32
    %ge3A_83 = arith.cmpi sge, %select_n3A_63, %ge3A : i32
    %convert_element_type3A_84 = arith.extui %ge3A_83 : i1 to i32
    %cond3A_85 = arith.constant 0 : i32
    %cond3A_86 = arith.cmpi ne, %convert_element_type3A_84, %cond3A_85 : i32
    scf.if %cond3A_86 {
      %dma_wait3A = arith.constant 0 : i32
      %dma_wait3A_92 = tpu.memref_slice %arg4[%select_n3A_9, %dma_wait3A] : memref<3x1048576xf32, #tpu.memory_space<hbm>> -> memref<1x4096xf32, #tpu.memory_space<hbm>>
      %dma_wait3A_93 = tpu.memref_squeeze %dma_wait3A_92 : memref<1x4096xf32, #tpu.memory_space<hbm>> -> memref<4096xf32, #tpu.memory_space<hbm>>
      %dma_wait3A_94 = arith.constant 0 : i32
      %dma_wait3A_95 = tpu.memref_slice %arg4[%select_n3A_9, %dma_wait3A_94] : memref<3x1048576xf32, #tpu.memory_space<hbm>> -> memref<1x4096xf32, #tpu.memory_space<hbm>>
      %dma_wait3A_96 = tpu.memref_squeeze %dma_wait3A_95 : memref<1x4096xf32, #tpu.memory_space<hbm>> -> memref<4096xf32, #tpu.memory_space<hbm>>
      tpu.wait_dma2 semaphore(%arg12 : memref<!tpu.dma_semaphore, #tpu.memory_space<semaphore_mem>>) src(%arg8 : memref<4096xf32, #tpu.memory_space<vmem>>) dst(%dma_wait3A_96 : memref<4096xf32, #tpu.memory_space<hbm>>)
    } else {
    }
    %ge3A_87 = arith.constant 2 : i32
    %ge3A_88 = arith.cmpi sge, %select_n3A_63, %ge3A_87 : i32
    %convert_element_type3A_89 = arith.extui %ge3A_88 : i1 to i32
    %cond3A_90 = arith.constant 0 : i32
    %cond3A_91 = arith.cmpi ne, %convert_element_type3A_89, %cond3A_90 : i32
    scf.if %cond3A_91 {
      %dma_wait3A = arith.constant 0 : i32
      %dma_wait3A_92 = tpu.memref_slice %arg4[%select_n3A_9, %dma_wait3A] : memref<3x1048576xf32, #tpu.memory_space<hbm>> -> memref<1x4096xf32, #tpu.memory_space<hbm>>
      %dma_wait3A_93 = tpu.memref_squeeze %dma_wait3A_92 : memref<1x4096xf32, #tpu.memory_space<hbm>> -> memref<4096xf32, #tpu.memory_space<hbm>>
      %dma_wait3A_94 = arith.constant 0 : i32
      %dma_wait3A_95 = tpu.memref_slice %arg4[%select_n3A_9, %dma_wait3A_94] : memref<3x1048576xf32, #tpu.memory_space<hbm>> -> memref<1x4096xf32, #tpu.memory_space<hbm>>
      %dma_wait3A_96 = tpu.memref_squeeze %dma_wait3A_95 : memref<1x4096xf32, #tpu.memory_space<hbm>> -> memref<4096xf32, #tpu.memory_space<hbm>>
      tpu.wait_dma2 semaphore(%arg13 : memref<!tpu.dma_semaphore, #tpu.memory_space<semaphore_mem>>) src(%arg9 : memref<4096xf32, #tpu.memory_space<vmem>>) dst(%dma_wait3A_96 : memref<4096xf32, #tpu.memory_space<hbm>>)
    } else {
    }
    return
  }
}

</mosaic_0001>

<sc_bundles>
// kernel: kernel.3.cloned.1.call-start
scs
__scs_entry_jumppad:
0x0: {  	(pc) =	sbr.rel $0x88, $3  }
0x1: {  	(tag) =	ssettag $0x0;
	lr =	simm.s32 $0x1  }
0x2: {  	[smem:$0x3F9F] =	sst lr;
	_ =	strace $0xD0000000  }
0x3: {  	_ = 	snop  }
0x4: {  	_ = 	snop  }
0x5: {  	_ = 	snop  }
0x6: {  	_ = 	snop  }
0x7: {  	_ = 	snop  }
__scs_overlays_trampoline_lowered:
0x8: {  	[smem:$0x3FAE] =	sst s0  }
0x9: {  	[smem:$0x3FAF] =	sst s1  }
0xa: {  	[smem:$0x3FB0] =	sst s2  }
0xb: {  	[smem:$0x3FB1] =	sst s3  }
0xc: {  	[smem:$0x3FB2] =	sst s4  }
0xd: {  	[smem:$0x3FB3] =	sst s5  }
0xe: {  	[smem:$0x3FB4] =	sst s6  }
0xf: {  	[smem:$0x3FB5] =	sst s7  }
0x10: {  	[smem:$0x3FB6] =	sst s8  }
0x11: {  	[smem:$0x3FB7] =	sst s9;
	s0 =	simm.s32 @!p0 $0x0  }
0x12: {  	s1 =	sld [smem:$0x3F9D];
	s0 =	simm.s32 @p0 $0x1  }
0x13: {  	[smem:$0x3FB8] =	sst s0;
	s0 =	simm.s32 @!p1 $0x0  }
0x14: {  	s2 =	sld [smem:$0x3F9C];
	s0 =	simm.s32 @p1 $0x1  }
0x15: {  	[smem:$0x3FB9] =	sst s0;
	s0 =	simm.s32 @!p2 $0x0  }
0x16: {  	s3 =	sld [smem:$0x3FDB];
	s0 =	simm.s32 @p2 $0x1  }
0x17: {  	s4 =	simm.s32 $0x1BF5;
	[smem:$0x3FBB] =	sst s0  }
0x18: {  	s0 =	sld [smem:$0x3F9E];
	_ =	swait.ge [sflag:s4], $0x0  }
0x19: {  	s7 =	sld [smem:$0x3F9F]  }
0x1a: {  	s8 =	sadd.s32 $0xFFFFE003, lr  }
0x1b: {  	s9 =	sadd.s32 $0xFFFFFEF7, lr;
	s5 =	simm.s32 $0xFFFFFFFF;
	p2 =	slt.u32 s8, $0xFFFFF086  }
0x1c: {  	p1 =	slt.u32 s9, $0xF7A;
	s5 =	simm.s32 @!p2 $0x0  }
0x1d: {  	s5 =	simm.s32 @p1 $0x1;
	p0 =	seq.s32 s7, s2  }
0x1e: {  	s7 =	smul.u32 @!p0 $0xF7A, s2;
	p2 =	seq.s32 @!p0 s5, $0x0  }
0x1f: {  	s9 =	smul.u32 $0xF7A, s1;
	s8 =	simm.s32 @!p0 $0x1BF5;
	p2 =	por !p2, p0  }
0x20: {  	[sflag:s8] =	ssyncset.s32 @!p0 $0xFFFFF086;
	s6 =	sadd.s32 @!p0 s3, s7;
	s7 =	simm.s32 @!p0 $0x108  }
0x21: {  	s3 =	sadd.s32 s3, s9;
	s6 =	sadd.s32 @!p0 $0x88, s6;
	s7 =	simm.s32 @p2 $0x1082  }
0x22: {  	[simem:s7], [sflag:s8] =	dma.local @!p0 [hbm:s6], $0xF7A  }
0x23: {  	s9 =	sor.u32 $0xD0000000, s2;
	s6 =	simm.s32 $0x108;
	_ =	swait.ge @!p0 [sflag:s8], $0x0  }
0x24: {  	s3 =	sadd.s32 $0x88, s3;
	s6 =	simm.s32 @!p1 $0x1082;
	[sflag:s4] =	ssyncset.s32 $0xFFFFF086  }
0x25: {  	[simem:s6], [sflag:s4] =	dma.local [hbm:s3], $0xF7A  }
0x26: {  	[smem:$0x3F9F] =	sst s1;
	(tag) =	ssettag s2;
	_ =	strace s9  }
0x27: {  	s1 =	sld [smem:$0x3FAF]  }
0x28: {  	s2 =	sld [smem:$0x3FB0]  }
0x29: {  	s4 =	sld [smem:$0x3FB2]  }
0x2a: {  	p0 =	seq.s32 s5, $0x0;
	s5 =	sld [smem:$0x3FB3]  }
0x2b: {  	s6 =	sld [smem:$0x3FB4]  }
0x2c: {  	s7 =	sld [smem:$0x3FB5]  }
0x2d: {  	s3 =	simm.s32 $0x108;
	s8 =	sld [smem:$0x3FB6]  }
0x2e: {  	s3 =	simm.s32 @!p0 $0x1082;
	s9 =	sld [smem:$0x3FB7]  }
0x2f: {  	lr =	sadd.s32 s0, s3;
	s0 =	sld [smem:$0x3FAE]  }
0x30: {  	s3 =	sld [smem:$0x3FB1]  }
0x31: {  	[smem:$0x3FBA] =	sst s10  }
0x32: {  	s10 =	sld [smem:$0x3FB8];
	_ =	sdelay $0x3  }
0x33: {  	p0 =	seq.s32 s10, $0x1;
	s10 =	sld [smem:$0x3FBA];
	_ =	sdelay $0x3  }
0x34: {  	[smem:$0x3FBA] =	sst s10  }
0x35: {  	s10 =	sld [smem:$0x3FB9];
	_ =	sdelay $0x3  }
0x36: {  	p1 =	seq.s32 s10, $0x1;
	s10 =	sld [smem:$0x3FBA];
	_ =	sdelay $0x3  }
0x37: {  	[smem:$0x3FBA] =	sst s10  }
0x38: {  	s10 =	sld [smem:$0x3FBB]  }
0x39: {  	_ = 	snop;
	(pc) =	sbr.ind lr, $3  }
0x3a: {  	_ = 	snop  }
0x3b: {  	_ = 	snop  }
0x3c: {  	p2 =	seq.s32 s10, $0x1;
	s10 =	sld [smem:$0x3FBA]  }
0x3d: {  	_ =	shalt  }
0x3e: {  	_ =	shalt  }
0x3f: {  	_ =	shalt  }
0x40: {  	_ =	shalt  }
0x41: {  	_ =	shalt  }
0x42: {  	_ =	shalt  }
0x43: {  	_ =	shalt  }
0x44: {  	_ =	shalt  }
0x45: {  	_ =	shalt  }
0x46: {  	_ =	shalt  }
0x47: {  	_ =	shalt  }
0x48: {  	_ =	shalt  }
0x49: {  	_ =	shalt  }
0x4a: {  	_ =	shalt  }
0x4b: {  	_ =	shalt  }
0x4c: {  	_ =	shalt  }
0x4d: {  	_ =	shalt  }
0x4e: {  	_ =	shalt  }
0x4f: {  	_ =	shalt  }
0x50: {  	_ =	shalt  }
0x51: {  	_ =	shalt  }
0x52: {  	_ =	shalt  }
0x53: {  	_ =	shalt  }
0x54: {  	_ =	shalt  }
0x55: {  	_ =	shalt  }
0x56: {  	_ =	shalt  }
0x57: {  	_ =	shalt  }
0x58: {  	_ =	shalt  }
0x59: {  	_ =	shalt  }
0x5a: {  	_ =	shalt  }
0x5b: {  	_ =	shalt  }
0x5c: {  	_ =	shalt  }
0x5d: {  	_ =	shalt  }
0x5e: {  	_ =	shalt  }
0x5f: {  	_ =	shalt  }
0x60: {  	_ =	shalt  }
0x61: {  	_ =	shalt  }
0x62: {  	_ =	shalt  }
0x63: {  	_ =	shalt  }
0x64: {  	_ =	shalt  }
0x65: {  	_ =	shalt  }
0x66: {  	_ =	shalt  }
0x67: {  	_ =	shalt  }
0x68: {  	_ =	shalt  }
0x69: {  	_ =	shalt  }
0x6a: {  	_ =	shalt  }
0x6b: {  	_ =	shalt  }
0x6c: {  	_ =	shalt  }
0x6d: {  	_ =	shalt  }
0x6e: {  	_ =	shalt  }
0x6f: {  	_ =	shalt  }
0x70: {  	_ =	shalt  }
0x71: {  	_ =	shalt  }
0x72: {  	_ =	shalt  }
0x73: {  	_ =	shalt  }
0x74: {  	_ =	shalt  }
0x75: {  	_ =	shalt  }
0x76: {  	_ =	shalt  }
0x77: {  	_ =	shalt  }
0x78: {  	_ =	shalt  }
0x79: {  	_ =	shalt  }
0x7a: {  	_ =	shalt  }
0x7b: {  	_ =	shalt  }
0x7c: {  	_ =	shalt  }
0x7d: {  	_ =	shalt  }
0x7e: {  	_ =	shalt  }
0x7f: {  	_ =	shalt  }
0x80: {  	_ =	shalt  }
0x81: {  	_ =	shalt  }
0x82: {  	_ =	shalt  }
0x83: {  	_ =	shalt  }
0x84: {  	_ =	shalt  }
0x85: {  	_ =	shalt  }
0x86: {  	_ =	shalt  }
0x87: {  	_ =	shalt  }
.Lfunc_end0:
.L_simem_size_0:
called_computation_lowered:
.L_overlay_start_0:
0x88: {  	s2 =	sld [smem:$0x3FD9]  }
0x89: {  	s3 =	sld [smem:$0x3FFE];
	_ =	sdelay $0x1  }
0x8a: {  	s1 =	srdreg.scid  }
0x8b: {  	s0 =	sand.u32 $0x1, s1  }
0x8c: {  	s17 =	sshll.u32 s0, $0xA;
	s2 =	sadd.s32 s3, s2  }
0x8d: {  	s2 =	sadd.s32 s2, s17  }
0x8e: {  	[smem:$0x3FC6] =	sst s2  }
0x8f: {  	_ = 	snop  }
0x90: {  	s2 =	sld [smem:$0x3FC8]  }
0x91: {  	s18 =	sld [smem:$0x3FD0];
	(tm) =	ssettm $0x1  }
0x92: {  	s4 =	sld [smem:$0x3FFB];
	_ =	sdelay $0x3  }
0x93: {  	_ =	strace s4  }
0x94: {  	s4 =	sld [smem:$0x3FFC];
	_ =	sdelay $0x3  }
0x95: {  	_ =	strace s4  }
0x96: {  	s4 =	sld [smem:$0x3FFD];
	_ =	sdelay $0x3  }
0x97: {  	_ =	strace s4  }
0x98: {  	_ =	strace $0x8FFFFFFF  }
0x99: {  	s19 =	sld [smem:$0x3FDB];
	_ =	sdelay $0x1  }
0x9a: {  	s5 =	simm.s32 $_scs_section_size  }
0x9b: {  	s6 =	simm.s32 $_size__tile_overlayer_lowered;
	s7 =	simm.s32 $_tile_overlayer_lowered  }
0x9c: {  	s22 =	simm.s32 $0x1BFF;
	s21 =	sshll.u32 s7, $0x1;
	s4 =	sadd.s32 s5, s19  }
0x9d: {  	s8 =	simm.s32 $0x0;
	s20 =	sshll.u32 s6, $0x1;
	s6 =	sadd.s32 s21, s4  }
0x9e: {  	[timem:s8], [sflag:s22] =	dma.local [hbm:s6], s20  }
0x9f: {  	_ =	swait.ge [sflag:s22], s20  }
0xa0: {  	s5 =	ssub.s32 $0x0, s20;
	[sflag:s22] =	ssyncset.done $0x0  }
0xa1: {  	[sflag:s22] =	ssyncadd.s32 s5;
	_ =	sdelay $0x1  }
0xa2: {  	s23 =	simm.s32 $0x1B8B  }
0xa3: {  	_ =	swait.ge [sflag:s23], $0x1  }
0xa4: {  	[sflag:s23] =	ssyncset.done $0x0  }
0xa5: {  	s25 =	simm.s32 $0x1B8E;
	s24 =	sld [smem:$0x3FFE];
	[sflag:s23] =	ssyncadd.s32 $0xFFFFFFFF  }
0xa6: {  	s26 =	simm.s32 $execute0_lowered;
	[smem:$0x3FD2] =	sst s25  }
0xa7: {  	s6 =	sshll.u32 s26, $0x1;
	_ =	strace $0x80000046;
	[dreg:$0x1] =	wrdreg $0xFFFFFFFF  }
0xa8: {  	s28 =	simm.s32 $_size_execute0_lowered;
	s4 =	sadd.s32 s4, s6;
	[dreg:$0x0] =	wrdreg $0x0  }
0xa9: {  	s6 =	sshll.u32 s28, $0x1;
	[dreg:$0x2] =	wrdreg s4  }
0xaa: {  	[dreg:$0x3] =	wrdreg s6  }
0xab: {  	[dreg:$0x4] =	wrdreg $0xC0  }
0xac: {  	_ =	task [dreg:s8], $0x5FFFF  }
0xad: {  	[dreg:$0x1] =	wrdreg $0xFFFFFFFF  }
0xae: {  	[dreg:$0x0] =	wrdreg $0x60  }
0xaf: {  	[dreg:$0x2] =	wrdreg s18  }
0xb0: {  	[dreg:$0x3] =	wrdreg s2  }
0xb1: {  	[dreg:$0x4] =	wrdreg s24  }
0xb2: {  	[dreg:$0x5] =	wrdreg $0x9  }
0xb3: {  	_ =	task.clear_ibuf [dreg:s8], $0x6FFFF;
	_ =	strace $0x90000046  }
0xb4: {  	s29 =	simm.s32 $0x9;
	_ =	strace $0x80000048  }
0xb5: {  	_ =	swait.ge [sflag:s29], $0x1  }
0xb6: {  	[sflag:s29] =	ssyncadd.s32 $0xFFFFFFFF  }
0xb7: {  	_ =	strace $0x90000048  }
0xb8: {  	_ =	sfence  }
0xb9: {  	s30 =	sld [smem:$0x0];
	_ =	sdelay $0x2  }
0xba: {  	s31 =	sshll.u32 s1, $0xD;
	s1 =	sshrl.u32 s1, $0x2  }
0xbb: {  	s3 =	sand.u32 $0x4000, s31;
	s1 =	sadd.s32 s1, s30  }
0xbc: {  	s0 =	sor.u32 s3, s0;
	s1 =	sshll.u32 s1, $0x11  }
0xbd: {  	s0 =	sor.u32 s1, s0  }
0xbe: {  	s0 =	sadd.s32 $0x8F2B, s0  }
0xbf: {  	[sflag:s0] =	ssyncadd.remote.s32 $0x1  }
0xc0: {  	_ =	sfence.sel $0xFFFF  }
0xc1: {  	[dreg:$0x0] =	wrdreg $0xFFFFFFFF;
	(pc) =	sbr.abs _section_cstart, $3  }
0xc2: {  	[dreg:$0x1] =	wrdreg $0xFFFFFFFF  }
0xc3: {  	_ =	task.clear_ibuf [dreg:s8], $0x2FFFF;
	_ =	strace $0x9FFFFFFF  }
0xc4: {  	(tm) =	ssettm $0x7FFFFFFF  }
0xc5: {  	_ =	shalt  }
tec
execute0_lowered:
.L_overlay_start_1:
0x0: {  	(tag) =	ssettag $0x1  }
0x1: {  	s1 =	srdreg.scid;
	s2 =	rddreg [dreg:$0x0]  }
0x2: {  	s0 =	stileid.u32;
	s8 =	rddreg [dreg:$0x1]  }
0x3: {  	s7 =	rddreg [dreg:$0x2];
	s5 =	sand.u32 $0x1, s1;
	s26 =	sshll.u32 s0, $0x1  }
0x4: {  	s4 =	simm.s32 $0x0;
	s12 =	simm.s32 $0x80;
	s6 =	sor.u32 s5, s26  }
0x5: {  	s13 =	simm.s32 $0x200;
	s14 =	simm.s32 $0x5;
	s1 =	smul.u32 $0x56, s6  }
0x6: {  	s15 =	simm.s32 $0x18700;
	s16 =	simm.s32 $0x19700;
	s17 =	simm.s32 $0x1  }
0x7: {  	s18 =	simm.s32 $0x1A700;
	s19 =	simm.s32 $0x2;
	s3 =	sshrl.u32 s1, $0x8  }
0x8: {  	s20 =	simm.s32 $0x1B700;
	s21 =	simm.s32 $0x3;
	s9 =	smul.u32 $0x3, s3  }
0x9: {  	s22 =	simm.s32 $0x4;
	s23 =	simm.s32 $0x0;
	s28 =	ssub.s32 $0x2, s5  }
0xa: {  	[smem:$0x7FF] =	sst s4;
	s11 =	sshrl.u32 s28, $0x1;
	s6 =	ssub.s32 s6, s9  }
0xb: {  	s5 =	simm.s32 $0xB;
	s11 =	ssub.s32 s28, s11;
	s10 =	sand.u32 $0xFF, s6  }
.Ltmp0:
0xc: {  	s1 =	rddreg [dreg:$0x3];
	p0 =	slt.u32 s10, $0x2;
	(pc) =	sbr.rel .LBB2_1-.Ltmp0, $4  }
0xd: {  	_ =	strace $0x80000047;
	s11 =	smax.u32 s11, $0x1;
	s5 =	simm.s32 @!p0 $0xA  }
0xe: {  	s31 =	sshll.u32 s3, $0x9;
	s6 =	sadd.s32 $0x400, s7;
	s30 =	sadd.s32 s3, s5  }
0xf: {  	s7 =	sshll.u32 s10, $0x7;
	s29 =	sshll.u32 s10, $0x4;
	s10 =	sshll.u32 s30, $0x9  }
0x10: {  	s9 =	sadd.s32 s2, s31;
	s8 =	sadd.s32 s8, s29;
	s10 =	sadd.s32 s2, s10  }
.LBB2_11:
0x11: {  	s23 =	sadd.s32 $0x1, s23  }
0x12: {  	_ =	swait.ge [sflag:s21], $0x1000;
	p0 =	sne.s32 s23, s11  }
.Ltmp1:
0x13: {  	[sflag:s21] =	ssyncset.done $0x0;
	(pc) =	sbr.rel @!p0 .LBB2_12-.Ltmp1, $4  }
0x14: {  	[sflag:s21] =	ssyncadd.s32 $0xFFFFF000  }
0x15: {  	_ =	swait.ge [sflag:s22], $0x1000  }
0x16: {  	[sflag:s22] =	ssyncset.done $0x0  }
0x17: {  	[sflag:s22] =	ssyncadd.s32 $0xFFFFF000  }
.LBB2_1:
0x18: {  	[tilespmem:s4], [sflag:$0x5] =	stream.strided.gather [hbm4b:s8+s12], $0x18700, s13, s12, $0x38;
	[tilespmem:$0x1C700] =	vst v63  }
0x19: {  	_ =	swait.ge [sflag:s14], $0x18700  }
.Ltmp2:
0x1a: {  	[sflag:s14] =	ssyncset.done $0x0;
	(pc) =	sbr.rel .LBB2_2-.Ltmp2, $4  }
0x1b: {  	[sflag:s14] =	ssyncadd.s32 $0xFFFE7900  }
0x1c: {  	[tilespmem:s15], [sflag:$0x1] =	stream.linear.gather [hbm4b:s9+s4], $0x1000, $0x38;
	[tilespmem:$0x1C700] =	vst v63  }
0x1d: {  	s24 =	simm.s32 $0x0  }
0x1e: {  	[tilespmem:s16], [sflag:$0x2] =	stream.linear.gather [hbm4b:s10+s4], $0x1000, $0x38;
	[tilespmem:$0x1C700] =	vst v63  }
.LBB2_10:
0x1f: {  	s24 =	sadd.s32 $0x1, s24  }
0x20: {  	p0 =	sne.s32 s24, $0xD  }
.Ltmp3:
0x21: {  	_ = 	snop;
	(pc) =	sbr.rel @!p0 .LBB2_11-.Ltmp3, $1  }
0x22: {  	_ =	sdelay $0x3  }
.LBB2_2:
0x23: {  	s25 =	sshll.u32 s24, $0x1  }
0x24: {  	s26 =	smul.u32 s5, s25;
	_ =	sdelay $0x1  }
0x25: {  	s26 =	sadd.s32 s3, s26  }
0x26: {  	p1 =	sgt.u32 s26, $0xFF  }
.Ltmp4:
0x27: {  	_ = 	snop;
	(pc) =	sbr.rel @p1 .LBB2_6-.Ltmp4, $2  }
0x28: {  	_ =	sdelay $0x2  }
0x29: {  	p0 =	seq.s32 s24, $0x0  }
0x2a: {  	_ =	swait.ge [sflag:s17], $0x1000  }
0x2b: {  	[sflag:s17] =	ssyncset.done $0x0  }
0x2c: {  	s28 =	simm.s32 @!p0 $0x3;
	[sflag:s17] =	ssyncadd.s32 $0xFFFFF000  }
0x2d: {  	_ =	swait.ge @!p0 [sflag:s28], $0x1000  }
0x2e: {  	[sflag:s28] =	ssyncset.done @!p0 $0x0  }
0x2f: {  	[sflag:s28] =	ssyncadd.s32 @!p0 $0xFFFFF000;
	s28 =	simm.s32 $0x18740  }
0x30: {  	v0 =	vld [tilespmem:s28+$0x30]  }
0x31: {  	v1 =	vld [tilespmem:s28+$0xFFFFFFD0]  }
0x32: {  	v2 =	vld [tilespmem:s28+$0xFFFFFFE0]  }
0x33: {  	v3 =	vld [tilespmem:s28+$0xFFFFFFF0]  }
0x34: {  	v4 =	vld [tilespmem:s28+$0x0]  }
0x35: {  	v5 =	vld [tilespmem:s28+$0x10]  }
0x36: {  	v6 =	vld [tilespmem:s28+$0x20]  }
0x37: {  	v7 =	vld [tilespmem:s28+$0xFFFFFFC0];
	_ =	sdelay $0x1  }
0x38: {  	s28 =	simm.s32 $0x187C0;
	vm0 =	vlt.s32 v0, $0x0  }
0x39: {  	v9 =	vld [tilespmem:s28+$0xFFFFFFD0];
	vm1 =	vlt.s32 v1, $0x0;
	vm3 =	vlt.s32 v2, $0x0;
	vm5 =	vlt.s32 v3, $0x0  }
0x3a: {  	v10 =	vld [tilespmem:s28+$0xFFFFFFE0];
	vm6 =	vlt.s32 v4, $0x0;
	vm7 =	vlt.s32 v5, $0x0;
	vm2 =	vlt.s32 v6, $0x0  }
0x3b: {  	v11 =	vld [tilespmem:s28+$0xFFFFFFF0];
	vm9 =	vlt.s32 v7, $0x0;
	v0 =	vsel vm0, $0x0, v0;
	v1 =	vsel vm1, $0x0, v1  }
0x3c: {  	v12 =	vld [tilespmem:s28+$0x0];
	v2 =	vsel vm3, $0x0, v2;
	v3 =	vsel vm5, $0x0, v3;
	v0 =	vmin.u32 v0, $0x1869F  }
0x3d: {  	v13 =	vld [tilespmem:s28+$0x10];
	v4 =	vsel vm6, $0x0, v4;
	v5 =	vsel vm7, $0x0, v5;
	v6 =	vsel vm2, $0x0, v6  }
0x3e: {  	v14 =	vld [tilespmem:s28+$0x20];
	v7 =	vsel vm9, $0x0, v7;
	vm1 =	vmmov vm1;
	v1 =	vmin.u32 v1, $0x1869F  }
0x3f: {  	v15 =	vld [tilespmem:s28+$0xFFFFFFC0];
	vm4 =	vmmov vm3;
	vm3 =	vmmov vm5;
	v2 =	vmin.u32 v2, $0x1869F  }
0x40: {  	vm5 =	vmmov vm6;
	vm6 =	vmmov vm7;
	v3 =	vmin.u32 v3, $0x1869F  }
0x41: {  	vm8 =	vmmov vm2;
	vm9 =	vmmov vm9;
	v4 =	vmin.u32 v4, $0x1869F;
	v0 =	vld.idx.msk [tilespmem:v0+s4+$0x0], $0xffff  }
0x42: {  	v8 =	vld [tilespmem:s28+$0x30];
	vm10 =	vlt.s32 v9, $0x0;
	vm12 =	vlt.s32 v10, $0x0;
	v5 =	vmin.u32 v5, $0x1869F  }
0x43: {  	vm14 =	vlt.s32 v11, $0x0;
	vm13 =	vlt.s32 v12, $0x0;
	v6 =	vmin.u32 v6, $0x1869F;
	v1 =	vld.idx.msk [tilespmem:v1+s4+$0x0], $0xffff  }
0x44: {  	vm11 =	vlt.s32 v13, $0x0;
	vm2 =	vlt.s32 v14, $0x0;
	vm7 =	vlt.s32 v15, $0x0;
	v2 =	vld.idx.msk [tilespmem:v2+s4+$0x0], $0xffff  }
0x45: {  	v7 =	vmin.u32 v7, $0x1869F;
	v9 =	vsel vm10, $0x0, v9;
	v10 =	vsel vm12, $0x0, v10;
	v3 =	vld.idx.msk [tilespmem:v3+s4+$0x0], $0xffff  }
0x46: {  	v11 =	vsel vm14, $0x0, v11;
	v12 =	vsel vm13, $0x0, v12;
	v4 =	vld.idx.msk [tilespmem:v4+s4+$0x0], $0xffff;
	v0 =	vmul.f32 $5.000000000e-01, v0  }
0x47: {  	v13 =	vsel vm11, $0x0, v13;
	v14 =	vsel vm2, $0x0, v14;
	v15 =	vsel vm7, $0x0, v15;
	v5 =	vld.idx.msk [tilespmem:v5+s4+$0x0], $0xffff  }
0x48: {  	v9 =	vmin.u32 v9, $0x1869F;
	v10 =	vmin.u32 v10, $0x1869F;
	v6 =	vld.idx.msk [tilespmem:v6+s4+$0x0], $0xffff;
	v0 =	vadd.f32 $5.000000000e-01, v0  }
0x49: {  	v11 =	vmin.u32 v11, $0x1869F;
	v12 =	vmin.u32 v12, $0x1869F;
	v13 =	vmin.u32 v13, $0x1869F  }
0x4a: {  	v14 =	vmin.u32 v14, $0x1869F;
	v7 =	vld.idx.msk [tilespmem:v7+s4+$0x0], $0xffff;
	v1 =	vmul.f32 $5.000000000e-01, v1;
	v0 =	vmax.f32 v0, $0.0e+00  }
0x4b: {  	v2 =	vmul.f32 $5.000000000e-01, v2;
	v3 =	vmul.f32 $5.000000000e-01, v3;
	v0 =	vmin.f32 v0, $1.000000000e+00  }
0x4c: {  	v4 =	vmul.f32 $5.000000000e-01, v4;
	v0 =	vsel vm0, $0x3F800000, v0;
	vm0 =	vlt.s32 v8, $0x0  }
0x4d: {  	v5 =	vmul.f32 $5.000000000e-01, v5;
	v6 =	vmul.f32 $5.000000000e-01, v6;
	v8 =	vsel vm0, $0x0, v8  }
0x4e: {  	v1 =	vadd.f32 $5.000000000e-01, v1;
	v2 =	vadd.f32 $5.000000000e-01, v2;
	v8 =	vmin.u32 v8, $0x1869F  }
0x4f: {  	v7 =	vmul.f32 $5.000000000e-01, v7;
	v3 =	vadd.f32 $5.000000000e-01, v3;
	v4 =	vadd.f32 $5.000000000e-01, v4  }
0x50: {  	v15 =	vmin.u32 v15, $0x1869F;
	v5 =	vadd.f32 $5.000000000e-01, v5;
	v6 =	vadd.f32 $5.000000000e-01, v6  }
0x51: {  	v7 =	vadd.f32 $5.000000000e-01, v7;
	v1 =	vmax.f32 v1, $0.0e+00;
	v2 =	vmax.f32 v2, $0.0e+00  }
0x52: {  	v3 =	vmax.f32 v3, $0.0e+00;
	v4 =	vmax.f32 v4, $0.0e+00;
	v5 =	vmax.f32 v5, $0.0e+00  }
0x53: {  	v6 =	vmax.f32 v6, $0.0e+00;
	v7 =	vmax.f32 v7, $0.0e+00;
	v1 =	vmin.f32 v1, $1.000000000e+00;
	v8 =	vld.idx.msk [tilespmem:v8+s4+$0x0], $0xffff  }
0x54: {  	v9 =	vld.idx.msk [tilespmem:v9+s4+$0x0], $0xffff;
	v7 =	vmin.f32 v7, $1.000000000e+00;
	v2 =	vmin.f32 v2, $1.000000000e+00;
	v3 =	vmin.f32 v3, $1.000000000e+00  }
0x55: {  	s28 =	simm.s32 $0x1A740;
	v10 =	vld.idx.msk [tilespmem:v10+s4+$0x0], $0xffff;
	v4 =	vmin.f32 v4, $1.000000000e+00;
	v5 =	vmin.f32 v5, $1.000000000e+00;
	v6 =	vmin.f32 v6, $1.000000000e+00  }
0x56: {  	v11 =	vld.idx.msk [tilespmem:v11+s4+$0x0], $0xffff;
	v1 =	vsel vm1, $0x3F800000, v1;
	v2 =	vsel vm4, $0x3F800000, v2;
	v3 =	vsel vm3, $0x3F800000, v3;
	[tilespmem:s28+$0x30] =	vst v0  }
0x57: {  	v12 =	vld.idx.msk [tilespmem:v12+s4+$0x0], $0xffff;
	v4 =	vsel vm5, $0x3F800000, v4;
	v16 =	vsel vm6, $0x3F800000, v5;
	vm3 =	vmmov vm10;
	[tilespmem:s28+$0xFFFFFFD0] =	vst v1  }
0x58: {  	vm5 =	vmmov vm12;
	v0 =	vsel vm9, $0x3F800000, v7;
	[tilespmem:s28+$0xFFFFFFE0] =	vst v2;
	v2 =	vld.idx.msk [tilespmem:v13+s4+$0x0], $0xffff;
	v5 =	vmul.f32 $5.000000000e-01, v8  }
0x59: {  	vm1 =	vmmov vm14;
	[tilespmem:s28+$0xFFFFFFC0] =	vst v0;
	v0 =	vsel vm8, $0x3F800000, v6;
	v6 =	vmul.f32 $5.000000000e-01, v9  }
0x5a: {  	vm4 =	vmmov vm13;
	[tilespmem:s28+$0xFFFFFFF0] =	vst v3;
	v1 =	vld.idx.msk [tilespmem:v14+s4+$0x0], $0xffff;
	v8 =	vmul.f32 $5.000000000e-01, v10;
	v9 =	vadd.f32 $5.000000000e-01, v5  }
0x5b: {  	vm6 =	vmmov vm11;
	v7 =	vmul.f32 $5.000000000e-01, v11;
	[tilespmem:s28+$0x0] =	vst v4;
	v3 =	vadd.f32 $5.000000000e-01, v6;
	v5 =	vld.idx.msk [tilespmem:v15+s4+$0x0], $0xffff  }
0x5c: {  	s29 =	simm.s32 $0x80;
	s30 =	simm.s32 $0x18840;
	[tilespmem:s28+$0x10] =	vst v16;
	v6 =	vmul.f32 $5.000000000e-01, v12;
	v4 =	vadd.f32 $5.000000000e-01, v8;
	v8 =	vmax.f32 v9, $0.0e+00  }
.LBB2_4:
0x5d: {  	v7 =	vadd.f32 $5.000000000e-01, v7;
	v2 =	vmul.f32 $5.000000000e-01, v2  }
0x5e: {  	v9 =	vld [tilespmem:s30+$0x30];
	s29 =	sadd.s32 $0x80, s29;
	v8 =	vmin.f32 v8, $1.000000000e+00;
	[tilespmem:s28+$0x20] =	vst v0;
	vm8 =	vmmov vm2;
	vm9 =	vmmov vm7  }
0x5f: {  	v1 =	vmul.f32 $5.000000000e-01, v1;
	s28 =	sadd.s32 $0x80, s28;
	v0 =	vld [tilespmem:s30+$0xFFFFFFD0];
	p1 =	slt.u32 s29, $0xF80;
	v6 =	vadd.f32 $5.000000000e-01, v6;
	v8 =	vsel vm0, $0x3F800000, v8  }
0x60: {  	v3 =	vmax.f32 v3, $0.0e+00;
	v5 =	vmul.f32 $5.000000000e-01, v5;
	v10 =	vld [tilespmem:s30+$0xFFFFFFE0];
	v2 =	vadd.f32 $5.000000000e-01, v2;
	[tilespmem:s28+$0x30] =	vst v8  }
0x61: {  	v4 =	vmax.f32 v4, $0.0e+00;
	v7 =	vmax.f32 v7, $0.0e+00;
	v1 =	vadd.f32 $5.000000000e-01, v1;
	v8 =	vld [tilespmem:s30+$0xFFFFFFF0]  }
0x62: {  	v5 =	vadd.f32 $5.000000000e-01, v5;
	v6 =	vmax.f32 v6, $0.0e+00;
	v11 =	vld [tilespmem:s30+$0x0];
	v2 =	vmax.f32 v2, $0.0e+00  }
0x63: {  	v3 =	vmin.f32 v3, $1.000000000e+00;
	v1 =	vmax.f32 v1, $0.0e+00;
	v12 =	vld [tilespmem:s30+$0x10];
	vm0 =	vlt.s32 v9, $0x0  }
0x64: {  	v5 =	vmax.f32 v5, $0.0e+00;
	vm10 =	vlt.s32 v0, $0x0;
	v13 =	vld [tilespmem:s30+$0x20];
	v9 =	vsel vm0, $0x0, v9  }
0x65: {  	v14 =	vld [tilespmem:s30+$0xFFFFFFC0];
	v0 =	vsel vm10, $0x0, v0;
	vm11 =	vlt.s32 v10, $0x0;
	v9 =	vmin.u32 v9, $0x1869F  }
0x66: {  	v0 =	vmin.u32 v0, $0x1869F;
	v10 =	vsel vm11, $0x0, v10;
	vm14 =	vlt.s32 v8, $0x0  }
0x67: {  	v10 =	vmin.u32 v10, $0x1869F;
	v8 =	vsel vm14, $0x0, v8;
	vm13 =	vlt.s32 v11, $0x0  }
0x68: {  	v8 =	vmin.u32 v8, $0x1869F;
	v11 =	vsel vm13, $0x0, v11;
	vm12 =	vlt.s32 v12, $0x0  }
0x69: {  	v11 =	vmin.u32 v11, $0x1869F;
	v12 =	vsel vm12, $0x0, v12;
	vm2 =	vlt.s32 v13, $0x0  }
0x6a: {  	vm7 =	vlt.s32 v14, $0x0;
	v12 =	vmin.u32 v12, $0x1869F;
	v13 =	vsel vm2, $0x0, v13;
	v9 =	vld.idx.msk [tilespmem:v9+s4+$0x0], $0xffff  }
0x6b: {  	v5 =	vmin.f32 v5, $1.000000000e+00;
	v14 =	vsel vm7, $0x0, v14;
	v15 =	vld.idx.msk [tilespmem:v0+s4+$0x0], $0xffff;
	v0 =	vmin.u32 v13, $0x1869F  }
0x6c: {  	v4 =	vmin.f32 v4, $1.000000000e+00;
	v7 =	vmin.f32 v7, $1.000000000e+00;
	v13 =	vmin.u32 v14, $0x1869F;
	v10 =	vld.idx.msk [tilespmem:v10+s4+$0x0], $0xffff  }
0x6d: {  	v6 =	vmin.f32 v6, $1.000000000e+00;
	v16 =	vmin.f32 v1, $1.000000000e+00;
	v14 =	vmin.f32 v2, $1.000000000e+00;
	v8 =	vld.idx.msk [tilespmem:v8+s4+$0x0], $0xffff  }
0x6e: {  	v3 =	vsel vm3, $0x3F800000, v3;
	v4 =	vsel vm5, $0x3F800000, v4;
	v1 =	vsel vm9, $0x3F800000, v5;
	v11 =	vld.idx.msk [tilespmem:v11+s4+$0x0], $0xffff  }
0x6f: {  	v7 =	vsel vm1, $0x3F800000, v7;
	v6 =	vsel vm4, $0x3F800000, v6;
	v2 =	vld.idx.msk [tilespmem:v12+s4+$0x0], $0xffff;
	[tilespmem:s28+$0xFFFFFFC0] =	vst v1;
	v12 =	vsel vm6, $0x3F800000, v14  }
.Ltmp5:
0x70: {  	vm3 =	vmmov vm10;
	v9 =	vmul.f32 $5.000000000e-01, v9;
	v1 =	vld.idx.msk [tilespmem:v0+s4+$0x0], $0xffff;
	[tilespmem:s28+$0xFFFFFFD0] =	vst v3;
	v0 =	vsel vm8, $0x3F800000, v16;
	(pc) =	sbr.rel @p1 .LBB2_4-.Ltmp5, $4  }
0x71: {  	vm5 =	vmmov vm11;
	vm1 =	vmmov vm14;
	v3 =	vmul.f32 $5.000000000e-01, v15;
	v5 =	vld.idx.msk [tilespmem:v13+s4+$0x0], $0xffff;
	[tilespmem:s28+$0xFFFFFFE0] =	vst v4  }
0x72: {  	vm4 =	vmmov vm13;
	v4 =	vmul.f32 $5.000000000e-01, v10;
	v9 =	vadd.f32 $5.000000000e-01, v9;
	[tilespmem:s28+$0xFFFFFFF0] =	vst v7  }
0x73: {  	vm6 =	vmmov vm12;
	v3 =	vadd.f32 $5.000000000e-01, v3;
	v7 =	vmul.f32 $5.000000000e-01, v8;
	[tilespmem:s28+$0x0] =	vst v6  }
0x74: {  	s30 =	sadd.s32 $0x80, s30;
	v4 =	vadd.f32 $5.000000000e-01, v4;
	v6 =	vmul.f32 $5.000000000e-01, v11;
	v8 =	vmax.f32 v9, $0.0e+00;
	[tilespmem:s28+$0x10] =	vst v12  }
0x75: {  	v7 =	vadd.f32 $5.000000000e-01, v7;
	v2 =	vmul.f32 $5.000000000e-01, v2;
	v8 =	vmin.f32 v8, $1.000000000e+00  }
0x76: {  	vm7 =	vmmov vm7;
	v1 =	vmul.f32 $5.000000000e-01, v1;
	v3 =	vmax.f32 v3, $0.0e+00  }
0x77: {  	vm15 =	vmmov vm2;
	v5 =	vmul.f32 $5.000000000e-01, v5;
	v6 =	vadd.f32 $5.000000000e-01, v6  }
0x78: {  	v8 =	vsel vm0, $0x3F800000, v8;
	v57 =	vmax.f32 v4, $0.0e+00;
	v3 =	vmin.f32 v3, $1.000000000e+00  }
0x79: {  	[tilespmem:s28+$0x20] =	vst v0;
	s30 =	sadd.s32 $0x80, s28;
	v56 =	vadd.f32 $5.000000000e-01, v2;
	v1 =	vadd.f32 $5.000000000e-01, v1;
	v2 =	vmin.f32 v57, $1.000000000e+00  }
0x7a: {  	[tilespmem:s30+$0x30] =	vst v8;
	v3 =	vsel vm3, $0x3F800000, v3;
	v5 =	vadd.f32 $5.000000000e-01, v5;
	v60 =	vmax.f32 v6, $0.0e+00  }
0x7b: {  	v2 =	vsel vm5, $0x3F800000, v2;
	[tilespmem:s30+$0xFFFFFFD0] =	vst v3;
	v0 =	vmax.f32 v56, $0.0e+00;
	v61 =	vmin.f32 v60, $1.000000000e+00  }
0x7c: {  	[tilespmem:s30+$0xFFFFFFE0] =	vst v2;
	v1 =	vmax.f32 v1, $0.0e+00;
	v0 =	vmin.f32 v0, $1.000000000e+00;
	v63 =	vsel vm4, $0x3F800000, v61  }
0x7d: {  	v5 =	vmax.f32 v5, $0.0e+00;
	v1 =	vmin.f32 v1, $1.000000000e+00;
	v0 =	vsel vm6, $0x3F800000, v0;
	[tilespmem:s30+$0x0] =	vst v63  }
0x7e: {  	s26 =	sshll.u32 s26, $0xE;
	v59 =	vmax.f32 v7, $0.0e+00;
	v58 =	vmin.f32 v5, $1.000000000e+00;
	v1 =	vsel vm15, $0x3F800000, v1;
	[tilespmem:s30+$0x10] =	vst v0  }
0x7f: {  	s26 =	sor.u32 s7, s26;
	v5 =	vmin.f32 v59, $1.000000000e+00;
	v4 =	vsel vm7, $0x3F800000, v58;
	[tilespmem:s30+$0x20] =	vst v1  }
0x80: {  	s29 =	sadd.s32 $0x2, s25;
	s26 =	sshrl.u32 s26, $0x3;
	v62 =	vsel vm1, $0x3F800000, v5;
	[tilespmem:s30+$0xFFFFFFC0] =	vst v4  }
0x81: {  	s31 =	smul.u32 s5, s29;
	s26 =	sadd.s32 s6, s26;
	[tilespmem:s30+$0xFFFFFFF0] =	vst v62  }
0x82: {  	[hbm4b:s26+s12] =	stream.strided.scatter [tilespmem:s18], [sflag:$0x3], $0x1000, s13, s12, $0x38;
	[tilespmem:$0x1C700] =	vst v63  }
0x83: {  	s26 =	sadd.s32 s3, s31  }
0x84: {  	p1 =	sgt.u32 s26, $0xFF  }
0x85: {  	s26 =	sshll.u32 @!p1 s26, $0x9  }
0x86: {  	s28 =	simm.s32 @!p1 $0x0;
	s29 =	simm.s32 @!p1 $0x18700;
	s26 =	sadd.s32 @!p1 s2, s26  }
0x87: {  	[tilespmem:s29], [sflag:$0x1] =	stream.linear.gather @!p1 [hbm4b:s26+s28], $0x1000, $0x38;
	[tilespmem:$0x1C700] =	vst v63  }
.LBB2_6:
0x88: {  	s26 =	sor.u32 $0x1, s25  }
0x89: {  	s26 =	smul.u32 s5, s26;
	_ =	sdelay $0x1  }
0x8a: {  	s26 =	sadd.s32 s3, s26  }
0x8b: {  	p1 =	sgt.u32 s26, $0xFF  }
.Ltmp6:
0x8c: {  	_ = 	snop;
	(pc) =	sbr.rel @p1 .LBB2_10-.Ltmp6, $1  }
0x8d: {  	_ =	sdelay $0x3  }
0x8e: {  	_ =	swait.ge [sflag:s19], $0x1000  }
0x8f: {  	[sflag:s19] =	ssyncset.done $0x0  }
0x90: {  	s28 =	simm.s32 @!p0 $0x4;
	[sflag:s19] =	ssyncadd.s32 $0xFFFFF000  }
0x91: {  	_ =	swait.ge @!p0 [sflag:s28], $0x1000  }
0x92: {  	[sflag:s28] =	ssyncset.done @!p0 $0x0  }
0x93: {  	[sflag:s28] =	ssyncadd.s32 @!p0 $0xFFFFF000;
	s28 =	simm.s32 $0x19740  }
0x94: {  	v0 =	vld [tilespmem:s28+$0x30]  }
0x95: {  	v1 =	vld [tilespmem:s28+$0xFFFFFFD0]  }
0x96: {  	v2 =	vld [tilespmem:s28+$0xFFFFFFE0]  }
0x97: {  	v3 =	vld [tilespmem:s28+$0xFFFFFFF0]  }
0x98: {  	v4 =	vld [tilespmem:s28+$0x0]  }
0x99: {  	v5 =	vld [tilespmem:s28+$0x10]  }
0x9a: {  	v6 =	vld [tilespmem:s28+$0x20]  }
0x9b: {  	v7 =	vld [tilespmem:s28+$0xFFFFFFC0];
	_ =	sdelay $0x1  }
0x9c: {  	s28 =	simm.s32 $0x197C0;
	vm0 =	vlt.s32 v0, $0x0  }
0x9d: {  	v9 =	vld [tilespmem:s28+$0xFFFFFFD0];
	vm1 =	vlt.s32 v1, $0x0;
	vm3 =	vlt.s32 v2, $0x0;
	vm5 =	vlt.s32 v3, $0x0  }
0x9e: {  	v10 =	vld [tilespmem:s28+$0xFFFFFFE0];
	vm6 =	vlt.s32 v4, $0x0;
	vm7 =	vlt.s32 v5, $0x0;
	vm2 =	vlt.s32 v6, $0x0  }
0x9f: {  	v11 =	vld [tilespmem:s28+$0xFFFFFFF0];
	vm9 =	vlt.s32 v7, $0x0;
	v0 =	vsel vm0, $0x0, v0;
	v1 =	vsel vm1, $0x0, v1  }
0xa0: {  	v12 =	vld [tilespmem:s28+$0x0];
	v2 =	vsel vm3, $0x0, v2;
	v3 =	vsel vm5, $0x0, v3;
	v0 =	vmin.u32 v0, $0x1869F  }
0xa1: {  	v13 =	vld [tilespmem:s28+$0x10];
	v4 =	vsel vm6, $0x0, v4;
	v5 =	vsel vm7, $0x0, v5;
	v6 =	vsel vm2, $0x0, v6  }
0xa2: {  	v14 =	vld [tilespmem:s28+$0x20];
	v7 =	vsel vm9, $0x0, v7;
	vm1 =	vmmov vm1;
	v1 =	vmin.u32 v1, $0x1869F  }
0xa3: {  	v15 =	vld [tilespmem:s28+$0xFFFFFFC0];
	vm4 =	vmmov vm3;
	vm3 =	vmmov vm5;
	v2 =	vmin.u32 v2, $0x1869F  }
0xa4: {  	vm5 =	vmmov vm6;
	vm6 =	vmmov vm7;
	v3 =	vmin.u32 v3, $0x1869F  }
0xa5: {  	vm8 =	vmmov vm2;
	vm9 =	vmmov vm9;
	v4 =	vmin.u32 v4, $0x1869F;
	v0 =	vld.idx.msk [tilespmem:v0+s4+$0x0], $0xffff  }
0xa6: {  	v8 =	vld [tilespmem:s28+$0x30];
	vm10 =	vlt.s32 v9, $0x0;
	vm12 =	vlt.s32 v10, $0x0;
	v5 =	vmin.u32 v5, $0x1869F  }
0xa7: {  	vm14 =	vlt.s32 v11, $0x0;
	vm13 =	vlt.s32 v12, $0x0;
	v6 =	vmin.u32 v6, $0x1869F;
	v1 =	vld.idx.msk [tilespmem:v1+s4+$0x0], $0xffff  }
0xa8: {  	vm11 =	vlt.s32 v13, $0x0;
	vm2 =	vlt.s32 v14, $0x0;
	vm7 =	vlt.s32 v15, $0x0;
	v2 =	vld.idx.msk [tilespmem:v2+s4+$0x0], $0xffff  }
0xa9: {  	v7 =	vmin.u32 v7, $0x1869F;
	v9 =	vsel vm10, $0x0, v9;
	v10 =	vsel vm12, $0x0, v10;
	v3 =	vld.idx.msk [tilespmem:v3+s4+$0x0], $0xffff  }
0xaa: {  	v11 =	vsel vm14, $0x0, v11;
	v12 =	vsel vm13, $0x0, v12;
	v4 =	vld.idx.msk [tilespmem:v4+s4+$0x0], $0xffff;
	v0 =	vmul.f32 $5.000000000e-01, v0  }
0xab: {  	v13 =	vsel vm11, $0x0, v13;
	v14 =	vsel vm2, $0x0, v14;
	v15 =	vsel vm7, $0x0, v15;
	v5 =	vld.idx.msk [tilespmem:v5+s4+$0x0], $0xffff  }
0xac: {  	v9 =	vmin.u32 v9, $0x1869F;
	v10 =	vmin.u32 v10, $0x1869F;
	v6 =	vld.idx.msk [tilespmem:v6+s4+$0x0], $0xffff;
	v0 =	vadd.f32 $5.000000000e-01, v0  }
0xad: {  	v11 =	vmin.u32 v11, $0x1869F;
	v12 =	vmin.u32 v12, $0x1869F;
	v13 =	vmin.u32 v13, $0x1869F  }
0xae: {  	v14 =	vmin.u32 v14, $0x1869F;
	v7 =	vld.idx.msk [tilespmem:v7+s4+$0x0], $0xffff;
	v1 =	vmul.f32 $5.000000000e-01, v1;
	v0 =	vmax.f32 v0, $0.0e+00  }
0xaf: {  	v2 =	vmul.f32 $5.000000000e-01, v2;
	v3 =	vmul.f32 $5.000000000e-01, v3;
	v0 =	vmin.f32 v0, $1.000000000e+00  }
0xb0: {  	v4 =	vmul.f32 $5.000000000e-01, v4;
	v0 =	vsel vm0, $0x3F800000, v0;
	vm0 =	vlt.s32 v8, $0x0  }
0xb1: {  	v5 =	vmul.f32 $5.000000000e-01, v5;
	v6 =	vmul.f32 $5.000000000e-01, v6;
	v8 =	vsel vm0, $0x0, v8  }
0xb2: {  	v1 =	vadd.f32 $5.000000000e-01, v1;
	v2 =	vadd.f32 $5.000000000e-01, v2;
	v8 =	vmin.u32 v8, $0x1869F  }
0xb3: {  	v7 =	vmul.f32 $5.000000000e-01, v7;
	v3 =	vadd.f32 $5.000000000e-01, v3;
	v4 =	vadd.f32 $5.000000000e-01, v4  }
0xb4: {  	v15 =	vmin.u32 v15, $0x1869F;
	v5 =	vadd.f32 $5.000000000e-01, v5;
	v6 =	vadd.f32 $5.000000000e-01, v6  }
0xb5: {  	v7 =	vadd.f32 $5.000000000e-01, v7;
	v1 =	vmax.f32 v1, $0.0e+00;
	v2 =	vmax.f32 v2, $0.0e+00  }
0xb6: {  	v3 =	vmax.f32 v3, $0.0e+00;
	v4 =	vmax.f32 v4, $0.0e+00;
	v5 =	vmax.f32 v5, $0.0e+00  }
0xb7: {  	v6 =	vmax.f32 v6, $0.0e+00;
	v7 =	vmax.f32 v7, $0.0e+00;
	v1 =	vmin.f32 v1, $1.000000000e+00;
	v8 =	vld.idx.msk [tilespmem:v8+s4+$0x0], $0xffff  }
0xb8: {  	v9 =	vld.idx.msk [tilespmem:v9+s4+$0x0], $0xffff;
	v7 =	vmin.f32 v7, $1.000000000e+00;
	v2 =	vmin.f32 v2, $1.000000000e+00;
	v3 =	vmin.f32 v3, $1.000000000e+00  }
0xb9: {  	s28 =	simm.s32 $0x1B740;
	v10 =	vld.idx.msk [tilespmem:v10+s4+$0x0], $0xffff;
	v4 =	vmin.f32 v4, $1.000000000e+00;
	v5 =	vmin.f32 v5, $1.000000000e+00;
	v6 =	vmin.f32 v6, $1.000000000e+00  }
0xba: {  	v11 =	vld.idx.msk [tilespmem:v11+s4+$0x0], $0xffff;
	v1 =	vsel vm1, $0x3F800000, v1;
	v2 =	vsel vm4, $0x3F800000, v2;
	v3 =	vsel vm3, $0x3F800000, v3;
	[tilespmem:s28+$0x30] =	vst v0  }
0xbb: {  	v12 =	vld.idx.msk [tilespmem:v12+s4+$0x0], $0xffff;
	v4 =	vsel vm5, $0x3F800000, v4;
	v16 =	vsel vm6, $0x3F800000, v5;
	vm3 =	vmmov vm10;
	[tilespmem:s28+$0xFFFFFFD0] =	vst v1  }
0xbc: {  	vm5 =	vmmov vm12;
	v0 =	vsel vm9, $0x3F800000, v7;
	[tilespmem:s28+$0xFFFFFFE0] =	vst v2;
	v2 =	vld.idx.msk [tilespmem:v13+s4+$0x0], $0xffff;
	v5 =	vmul.f32 $5.000000000e-01, v8  }
0xbd: {  	vm1 =	vmmov vm14;
	[tilespmem:s28+$0xFFFFFFC0] =	vst v0;
	v0 =	vsel vm8, $0x3F800000, v6;
	v6 =	vmul.f32 $5.000000000e-01, v9  }
0xbe: {  	vm4 =	vmmov vm13;
	[tilespmem:s28+$0xFFFFFFF0] =	vst v3;
	v1 =	vld.idx.msk [tilespmem:v14+s4+$0x0], $0xffff;
	v8 =	vmul.f32 $5.000000000e-01, v10;
	v9 =	vadd.f32 $5.000000000e-01, v5  }
0xbf: {  	vm6 =	vmmov vm11;
	v7 =	vmul.f32 $5.000000000e-01, v11;
	[tilespmem:s28+$0x0] =	vst v4;
	v3 =	vadd.f32 $5.000000000e-01, v6;
	v5 =	vld.idx.msk [tilespmem:v15+s4+$0x0], $0xffff  }
0xc0: {  	s29 =	simm.s32 $0x80;
	s30 =	simm.s32 $0x19840;
	[tilespmem:s28+$0x10] =	vst v16;
	v6 =	vmul.f32 $5.000000000e-01, v12;
	v4 =	vadd.f32 $5.000000000e-01, v8;
	v8 =	vmax.f32 v9, $0.0e+00  }
.LBB2_8:
0xc1: {  	v7 =	vadd.f32 $5.000000000e-01, v7;
	v2 =	vmul.f32 $5.000000000e-01, v2  }
0xc2: {  	v9 =	vld [tilespmem:s30+$0x30];
	s29 =	sadd.s32 $0x80, s29;
	v8 =	vmin.f32 v8, $1.000000000e+00;
	[tilespmem:s28+$0x20] =	vst v0;
	vm8 =	vmmov vm2;
	vm9 =	vmmov vm7  }
0xc3: {  	v1 =	vmul.f32 $5.000000000e-01, v1;
	s28 =	sadd.s32 $0x80, s28;
	v0 =	vld [tilespmem:s30+$0xFFFFFFD0];
	p0 =	slt.u32 s29, $0xF80;
	v6 =	vadd.f32 $5.000000000e-01, v6;
	v8 =	vsel vm0, $0x3F800000, v8  }
0xc4: {  	v3 =	vmax.f32 v3, $0.0e+00;
	v5 =	vmul.f32 $5.000000000e-01, v5;
	v10 =	vld [tilespmem:s30+$0xFFFFFFE0];
	v2 =	vadd.f32 $5.000000000e-01, v2;
	[tilespmem:s28+$0x30] =	vst v8  }
0xc5: {  	v4 =	vmax.f32 v4, $0.0e+00;
	v7 =	vmax.f32 v7, $0.0e+00;
	v1 =	vadd.f32 $5.000000000e-01, v1;
	v8 =	vld [tilespmem:s30+$0xFFFFFFF0]  }
0xc6: {  	v5 =	vadd.f32 $5.000000000e-01, v5;
	v6 =	vmax.f32 v6, $0.0e+00;
	v11 =	vld [tilespmem:s30+$0x0];
	v2 =	vmax.f32 v2, $0.0e+00  }
0xc7: {  	v3 =	vmin.f32 v3, $1.000000000e+00;
	v1 =	vmax.f32 v1, $0.0e+00;
	v12 =	vld [tilespmem:s30+$0x10];
	vm0 =	vlt.s32 v9, $0x0  }
0xc8: {  	v5 =	vmax.f32 v5, $0.0e+00;
	vm10 =	vlt.s32 v0, $0x0;
	v13 =	vld [tilespmem:s30+$0x20];
	v9 =	vsel vm0, $0x0, v9  }
0xc9: {  	v14 =	vld [tilespmem:s30+$0xFFFFFFC0];
	v0 =	vsel vm10, $0x0, v0;
	vm11 =	vlt.s32 v10, $0x0;
	v9 =	vmin.u32 v9, $0x1869F  }
0xca: {  	v0 =	vmin.u32 v0, $0x1869F;
	v10 =	vsel vm11, $0x0, v10;
	vm14 =	vlt.s32 v8, $0x0  }
0xcb: {  	v10 =	vmin.u32 v10, $0x1869F;
	v8 =	vsel vm14, $0x0, v8;
	vm13 =	vlt.s32 v11, $0x0  }
0xcc: {  	v8 =	vmin.u32 v8, $0x1869F;
	v11 =	vsel vm13, $0x0, v11;
	vm12 =	vlt.s32 v12, $0x0  }
0xcd: {  	v11 =	vmin.u32 v11, $0x1869F;
	v12 =	vsel vm12, $0x0, v12;
	vm2 =	vlt.s32 v13, $0x0  }
0xce: {  	vm7 =	vlt.s32 v14, $0x0;
	v12 =	vmin.u32 v12, $0x1869F;
	v13 =	vsel vm2, $0x0, v13;
	v9 =	vld.idx.msk [tilespmem:v9+s4+$0x0], $0xffff  }
0xcf: {  	v5 =	vmin.f32 v5, $1.000000000e+00;
	v14 =	vsel vm7, $0x0, v14;
	v15 =	vld.idx.msk [tilespmem:v0+s4+$0x0], $0xffff;
	v0 =	vmin.u32 v13, $0x1869F  }
0xd0: {  	v4 =	vmin.f32 v4, $1.000000000e+00;
	v7 =	vmin.f32 v7, $1.000000000e+00;
	v13 =	vmin.u32 v14, $0x1869F;
	v10 =	vld.idx.msk [tilespmem:v10+s4+$0x0], $0xffff  }
0xd1: {  	v6 =	vmin.f32 v6, $1.000000000e+00;
	v16 =	vmin.f32 v1, $1.000000000e+00;
	v14 =	vmin.f32 v2, $1.000000000e+00;
	v8 =	vld.idx.msk [tilespmem:v8+s4+$0x0], $0xffff  }
0xd2: {  	v3 =	vsel vm3, $0x3F800000, v3;
	v4 =	vsel vm5, $0x3F800000, v4;
	v1 =	vsel vm9, $0x3F800000, v5;
	v11 =	vld.idx.msk [tilespmem:v11+s4+$0x0], $0xffff  }
0xd3: {  	v7 =	vsel vm1, $0x3F800000, v7;
	v6 =	vsel vm4, $0x3F800000, v6;
	v2 =	vld.idx.msk [tilespmem:v12+s4+$0x0], $0xffff;
	[tilespmem:s28+$0xFFFFFFC0] =	vst v1;
	v12 =	vsel vm6, $0x3F800000, v14  }
.Ltmp7:
0xd4: {  	vm3 =	vmmov vm10;
	v9 =	vmul.f32 $5.000000000e-01, v9;
	v1 =	vld.idx.msk [tilespmem:v0+s4+$0x0], $0xffff;
	[tilespmem:s28+$0xFFFFFFD0] =	vst v3;
	v0 =	vsel vm8, $0x3F800000, v16;
	(pc) =	sbr.rel @p0 .LBB2_8-.Ltmp7, $4  }
0xd5: {  	vm5 =	vmmov vm11;
	vm1 =	vmmov vm14;
	v3 =	vmul.f32 $5.000000000e-01, v15;
	v5 =	vld.idx.msk [tilespmem:v13+s4+$0x0], $0xffff;
	[tilespmem:s28+$0xFFFFFFE0] =	vst v4  }
0xd6: {  	vm4 =	vmmov vm13;
	v4 =	vmul.f32 $5.000000000e-01, v10;
	v9 =	vadd.f32 $5.000000000e-01, v9;
	[tilespmem:s28+$0xFFFFFFF0] =	vst v7  }
0xd7: {  	vm6 =	vmmov vm12;
	v3 =	vadd.f32 $5.000000000e-01, v3;
	v7 =	vmul.f32 $5.000000000e-01, v8;
	[tilespmem:s28+$0x0] =	vst v6  }
0xd8: {  	s30 =	sadd.s32 $0x80, s30;
	v4 =	vadd.f32 $5.000000000e-01, v4;
	v6 =	vmul.f32 $5.000000000e-01, v11;
	v8 =	vmax.f32 v9, $0.0e+00;
	[tilespmem:s28+$0x10] =	vst v12  }
0xd9: {  	v7 =	vadd.f32 $5.000000000e-01, v7;
	v2 =	vmul.f32 $5.000000000e-01, v2;
	v8 =	vmin.f32 v8, $1.000000000e+00  }
0xda: {  	vm7 =	vmmov vm7;
	v1 =	vmul.f32 $5.000000000e-01, v1;
	v3 =	vmax.f32 v3, $0.0e+00  }
0xdb: {  	vm15 =	vmmov vm2;
	v5 =	vmul.f32 $5.000000000e-01, v5;
	v6 =	vadd.f32 $5.000000000e-01, v6  }
0xdc: {  	v8 =	vsel vm0, $0x3F800000, v8;
	v57 =	vmax.f32 v4, $0.0e+00;
	v3 =	vmin.f32 v3, $1.000000000e+00  }
0xdd: {  	[tilespmem:s28+$0x20] =	vst v0;
	s31 =	sadd.s32 $0x80, s28;
	v56 =	vadd.f32 $5.000000000e-01, v2;
	v1 =	vadd.f32 $5.000000000e-01, v1;
	v2 =	vmin.f32 v57, $1.000000000e+00  }
0xde: {  	[tilespmem:s31+$0x30] =	vst v8;
	v3 =	vsel vm3, $0x3F800000, v3;
	v5 =	vadd.f32 $5.000000000e-01, v5;
	v60 =	vmax.f32 v6, $0.0e+00  }
0xdf: {  	v2 =	vsel vm5, $0x3F800000, v2;
	[tilespmem:s31+$0xFFFFFFD0] =	vst v3;
	v0 =	vmax.f32 v56, $0.0e+00;
	v61 =	vmin.f32 v60, $1.000000000e+00  }
0xe0: {  	s25 =	sadd.s32 $0x3, s25;
	[tilespmem:s31+$0xFFFFFFE0] =	vst v2;
	v1 =	vmax.f32 v1, $0.0e+00;
	v0 =	vmin.f32 v0, $1.000000000e+00;
	v63 =	vsel vm4, $0x3F800000, v61  }
0xe1: {  	s25 =	smul.u32 s5, s25;
	v5 =	vmax.f32 v5, $0.0e+00;
	v1 =	vmin.f32 v1, $1.000000000e+00;
	v0 =	vsel vm6, $0x3F800000, v0;
	[tilespmem:s31+$0x0] =	vst v63  }
0xe2: {  	s26 =	sshll.u32 s26, $0xE;
	v59 =	vmax.f32 v7, $0.0e+00;
	v58 =	vmin.f32 v5, $1.000000000e+00;
	v1 =	vsel vm15, $0x3F800000, v1;
	[tilespmem:s31+$0x10] =	vst v0  }
0xe3: {  	s26 =	sor.u32 s7, s26;
	s25 =	sadd.s32 s3, s25;
	v5 =	vmin.f32 v59, $1.000000000e+00;
	v4 =	vsel vm7, $0x3F800000, v58;
	[tilespmem:s31+$0x20] =	vst v1  }
.Ltmp8:
0xe4: {  	s26 =	sshrl.u32 s26, $0x3;
	p0 =	sgt.u32 s25, $0xFF;
	v62 =	vsel vm1, $0x3F800000, v5;
	[tilespmem:s31+$0xFFFFFFC0] =	vst v4;
	(pc) =	sbr.rel .LBB2_10-.Ltmp8, $4  }
0xe5: {  	s26 =	sadd.s32 s6, s26;
	s25 =	sshll.u32 @!p0 s25, $0x9;
	[tilespmem:s31+$0xFFFFFFF0] =	vst v62  }
0xe6: {  	[hbm4b:s26+s12] =	stream.strided.scatter [tilespmem:s20], [sflag:$0x4], $0x1000, s13, s12, $0x38;
	[tilespmem:$0x1C700] =	vst v63  }
0xe7: {  	s28 =	simm.s32 @!p0 $0x19700;
	s25 =	sadd.s32 @!p0 s2, s25;
	s26 =	simm.s32 @!p0 $0x0  }
0xe8: {  	[tilespmem:s28], [sflag:$0x2] =	stream.linear.gather @!p0 [hbm4b:s25+s26], $0x1000, $0x38;
	[tilespmem:$0x1C700] =	vst v63  }
.LBB2_12:
0xe9: {  	_ =	sfence.sel $0x180000  }
0xea: {  	[bflag:$0x0] =	sbarrier.arrive $0xFFFF  }
0xeb: {  	p0 =	sne.s32 s0, $0x0;
	_ =	strace $0x90000047  }
0xec: {  	s0 =	sadd.s32 @!p0 $0x100000, s1;
	[bflag:$0x2] =	sbarrier.arrive $0xFFFF  }
0xed: {  	[sflag:s0] =	ssyncadd.tile.s32 @!p0 $0x1;
	_ =	shalt  }
.Lfunc_end2:
_tile_overlayer_lowered:
.L_overlay_start_2:
0xee: {  	(tag) =	ssettag $0x2  }
0xef: {  	s0 =	rddreg [dreg:$0x0];
	s2 =	stileid.u32  }
0xf0: {  	s1 =	rddreg [dreg:$0x1];
	p0 =	sne.s32 s2, $0x0  }
0xf1: {  	s3 =	rddreg [dreg:$0x2];
	[bflag:$0x3] =	sbarrier.arrive $0xFFFF;
	s2 =	simm.s32 @!p0 $0x1C05  }
0xf2: {  	[timem:s3], [sflag:s2] =	dma.local @!p0 [hbm:s0], s1  }
0xf3: {  	s0 =	simm.s32 @!p0 $0x5  }
0xf4: {  	_ =	swait.ge @!p0 [sflag:s0], s1  }
0xf5: {  	s1 =	ssub.s32 @!p0 $0x0, s1;
	[sflag:s0] =	ssyncset.done @!p0 $0x0  }
0xf6: {  	[sflag:s0] =	ssyncadd.s32 @!p0 s1  }
0xf7: {  	[bflag:$0x3] =	sbarrier.arrive $0xFFFF  }
0xf8: {  	_ =	shalt  }

</sc_bundles>
